<compile_context>
chip_gen: v7x
topology: tpu7x:2x2x1
jax: 0.10.2.dev20260603
libtpu: 0.0.44.dev20260713+nightly
codegen_flags: <defaults>
</compile_context>

<pallas_src>
import functools

import jax
import jax.numpy as jnp
from jax import lax
from jax.experimental import pallas as pl
from jax.experimental.pallas import tpu as pltpu
from jax.experimental.pallas import tpu_sc as plsc

_P_THRESHOLD = 0.1
_OVERLAP_THRESHOLD = 0.3
_N_MAX_OBJECTS = 20
_L = 16
_BIG = 2**30


def _sc_body(n_real, n_pad, n_batch,
             p_hbm, bx_hbm, by_hbm, bw_hbm, bh_hbm,
             op_hbm, ox_hbm, oy_hbm, ow_hbm, oh_hbm,
             s_v, e_v, bx_v, by_v, bw_v, bh_v,
             o_p, o_x, o_y, o_w, o_h):
    nchunks = n_pad // _L
    wid = lax.axis_index("s") * 2 + lax.axis_index("c")

    @pl.when(wid < n_batch)
    def _():
        b = wid
        pltpu.sync_copy(p_hbm.at[b], s_v)
        pltpu.sync_copy(bx_hbm.at[b], bx_v)
        pltpu.sync_copy(by_hbm.at[b], by_v)
        pltpu.sync_copy(bw_hbm.at[b], bw_v)
        pltpu.sync_copy(bh_hbm.at[b], bh_v)

        iota = lax.iota(jnp.int32, _L)

        def init(i, _):
            off = i * _L
            pc = s_v[pl.ds(off, _L)]
            s_v[pl.ds(off, _L)] = jnp.where(pc > _P_THRESHOLD, pc, 0.0)
            e_v[pl.ds(off, _L)] = jnp.where(iota + off >= n_real, 1.0, 0.0)
            return 0
        lax.fori_loop(0, nchunks, init, 0)

        def step(l, _):
            def scan_a(i, carry):
                vmax, varg, emin = carry
                off = i * _L
                sc = s_v[pl.ds(off, _L)]
                ec = e_v[pl.ds(off, _L)]
                idx = iota + off
                gt = sc > vmax
                vmax = jnp.where(gt, sc, vmax)
                varg = jnp.where(gt, idx, varg)
                emin = jnp.minimum(emin, jnp.where(ec == 0.0, idx, _BIG))
                return vmax, varg, emin
            vmax, varg, emin = lax.fori_loop(
                0, nchunks, scan_a,
                (jnp.zeros((_L,), jnp.float32),
                 jnp.full((_L,), _BIG, jnp.int32),
                 jnp.full((_L,), _BIG, jnp.int32)))

            dnums = lax.GatherDimensionNumbers(
                offset_dims=(), collapsed_slice_dims=(0,),
                start_index_map=(0,))

            def shuffle(v, sh):
                return lax.gather(
                    v, (iota ^ sh)[:, None], dnums, (1,),
                    mode=lax.GatherScatterMode.PROMISE_IN_BOUNDS)

            def xmax(v):
                for sh in (8, 4, 2, 1):
                    v = jnp.maximum(v, shuffle(v, sh))
                return v

            def xmin(v):
                for sh in (8, 4, 2, 1):
                    v = jnp.minimum(v, shuffle(v, sh))
                return v

            pmax = xmax(vmax)
            valid = pmax > 0.0
            m = xmin(jnp.where(vmax == pmax, varg, _BIG))
            m2 = xmin(emin)
            idxs = jnp.where(valid, m, m2)
            chosen = idxs[0]
            val = jnp.where(valid, pmax, 0.0)
            vf = jnp.where(valid, 1.0, 0.0)

            coff = (chosen // _L) * _L
            lanev = idxs - coff

            def bcast(ref):
                chunk = ref[pl.ds(coff, _L)]
                return lax.gather(
                    chunk, lanev[:, None], dnums, (1,),
                    mode=lax.GatherScatterMode.PROMISE_IN_BOUNDS)

            bxm = bcast(bx_v)
            bym = bcast(by_v)
            bwm = bcast(bw_v)
            bhm = bcast(bh_v)
            x1m = bxm - 0.5 * bwm
            x3m = bxm + 0.5 * bwm
            y1m = bym - 0.5 * bhm
            y3m = bym + 0.5 * bhm
            am = bwm * bhm

            def scan_b(i, _):
                off = i * _L
                bxc = bx_v[pl.ds(off, _L)]
                byc = by_v[pl.ds(off, _L)]
                bwc = bw_v[pl.ds(off, _L)]
                bhc = bh_v[pl.ds(off, _L)]
                sc = s_v[pl.ds(off, _L)]
                x1c = bxc - 0.5 * bwc
                x3c = bxc + 0.5 * bwc
                y1c = byc - 0.5 * bhc
                y3c = byc + 0.5 * bhc
                ac = bwc * bhc
                inter = (jnp.maximum(jnp.minimum(x3c, x3m) - jnp.maximum(x1c, x1m), 0.0)
                         * jnp.maximum(jnp.minimum(y3c, y3m) - jnp.maximum(y1c, y1m), 0.0))
                ov = jnp.where(inter / jnp.minimum(ac, am) > _OVERLAP_THRESHOLD,
                               1.0, 0.0)
                s_v[pl.ds(off, _L)] = sc * (1.0 - vf * ov)
                return 0
            lax.fori_loop(0, nchunks, scan_b, 0)

            eoff = (chosen // _L) * _L
            elane = chosen - eoff
            ec = e_v[pl.ds(eoff, _L)]
            e_v[pl.ds(eoff, _L)] = jnp.where(iota == elane, 1.0, ec)

            ooff = (l // _L) * _L
            olane = l - ooff
            at = iota == olane
            o_p[pl.ds(ooff, _L)] = jnp.where(at, val, o_p[pl.ds(ooff, _L)])
            o_x[pl.ds(ooff, _L)] = jnp.where(at, bxm, o_x[pl.ds(ooff, _L)])
            o_y[pl.ds(ooff, _L)] = jnp.where(at, bym, o_y[pl.ds(ooff, _L)])
            o_w[pl.ds(ooff, _L)] = jnp.where(at, bwm, o_w[pl.ds(ooff, _L)])
            o_h[pl.ds(ooff, _L)] = jnp.where(at, bhm, o_h[pl.ds(ooff, _L)])
            return 0

        lax.fori_loop(0, _N_MAX_OBJECTS, step, 0)

        pltpu.sync_copy(o_p, op_hbm.at[b])
        pltpu.sync_copy(o_x, ox_hbm.at[b])
        pltpu.sync_copy(o_y, oy_hbm.at[b])
        pltpu.sync_copy(o_w, ow_hbm.at[b])
        pltpu.sync_copy(o_h, oh_hbm.at[b])


@jax.jit
def kernel(prob, bx_dimfull, by_dimfull, bw_dimfull, bh_dimfull):
    b, n, _ = prob.shape
    n_pad = ((n + _L - 1) // _L) * _L
    n_out = 2 * _L

    def prep(v, fill):
        v = v[..., 0]
        return jnp.pad(v, ((0, 0), (0, n_pad - n)), constant_values=fill)

    p = prep(prob, 0.0)
    bx = prep(bx_dimfull, 0.0)
    by = prep(by_dimfull, 0.0)
    bw = prep(bw_dimfull, 1.0)
    bh = prep(bh_dimfull, 1.0)

    mesh = plsc.VectorSubcoreMesh(core_axis_name="c", subcore_axis_name="s")
    out = jax.ShapeDtypeStruct((b, n_out), jnp.float32)
    run = pl.kernel(
        functools.partial(_sc_body, n, n_pad, b),
        mesh=mesh,
        out_type=(out, out, out, out, out),
        scratch_types=[
            pltpu.VMEM((n_pad,), jnp.float32),
            pltpu.VMEM((n_pad,), jnp.float32),
            pltpu.VMEM((n_pad,), jnp.float32),
            pltpu.VMEM((n_pad,), jnp.float32),
            pltpu.VMEM((n_pad,), jnp.float32),
            pltpu.VMEM((n_pad,), jnp.float32),
            pltpu.VMEM((n_out,), jnp.float32),
            pltpu.VMEM((n_out,), jnp.float32),
            pltpu.VMEM((n_out,), jnp.float32),
            pltpu.VMEM((n_out,), jnp.float32),
            pltpu.VMEM((n_out,), jnp.float32),
        ],
    )
    ap, ax, ay, aw, ah = run(p, bx, by, bw, bh)

    k = min(_N_MAX_OBJECTS, n)
    return (ap[:, :k, None], ax[:, :k, None], ay[:, :k, None],
            aw[:, :k, None], ah[:, :k, None])

# --- scband reference (transcript-rebuilt; emitter-appended) ---
"""Pipeline reference for scband-non-max-suppression-77824807403667 (READ-ONLY COPY).

The authoritative reference and input builder live on the scoring server;
editing this copy changes nothing except your own understanding.
"""

import jax, jax.numpy as jnp
import numpy as np

P_THRESHOLD = 0.1
OVERLAP_THRESHOLD = 0.3
N_MAX_OBJECTS = 20

def setup_inputs(seed: int = 0):
    key = jax.random.key(seed)
    k1, k2, k3, k4, k5 = jax.random.split(key, 5)
    B, N = 4, 5000
    prob = jax.random.uniform(k1, (B, N, 1), dtype=jnp.float32)
    bx = jax.random.uniform(k2, (B, N, 1), dtype=jnp.float32) * 100.0
    by = jax.random.uniform(k3, (B, N, 1), dtype=jnp.float32) * 100.0
    bw = jax.random.uniform(k4, (B, N, 1), dtype=jnp.float32) * 4.5 + 0.5
    bh = jax.random.uniform(k5, (B, N, 1), dtype=jnp.float32) * 4.5 + 0.5
    return {"prob": prob, "bx_dimfull": bx, "by_dimfull": by, "bw_dimfull": bw, "bh_dimfull": bh}

def _unroll_max(x):
    return jnp.maximum(x[:, None, :], x[:, :, None])

def _unroll_min(x):
    return jnp.minimum(x[:, None, :], x[:, :, None])

def _compute_nms_mask(prob, bx, by, bw, bh):
    p_raw = prob[..., 0]
    x1 = (bx - 0.5 * bw)[..., 0]
    x3 = (bx + 0.5 * bw)[..., 0]
    y1 = (by - 0.5 * bh)[..., 0]
    y3 = (by + 0.5 * bh)[..., 0]
    area = (bw * bh)[..., 0]
    min_area = _unroll_min(area)
    xi1 = _unroll_max(x1)
    yi1 = _unroll_max(y1)
    xi3 = _unroll_min(x3)
    yi3 = _unroll_min(y3)
    intersection_area = jnp.maximum(xi3 - xi1, 0.0) * jnp.maximum(yi3 - yi1, 0.0)
    overlap_measure = intersection_area / min_area
    cluster_mask = (overlap_measure > OVERLAP_THRESHOLD).astype(jnp.float32)
    B, N = p_raw.shape
    possible0 = (p_raw > P_THRESHOLD).astype(jnp.float32)
    idx = jnp.arange(N)[None, :]
    def body(l, carry):
        nms_mask, possible = carry
        p_mask = (p_raw * possible)[:, None, :] * cluster_mask
        index = jnp.argmax(p_mask, axis=-1)
        nms_mask = nms_mask + possible * (idx == index).astype(jnp.float32)
        impossible = jnp.einsum('bij,bj->bi', cluster_mask, nms_mask)
        possible = 1.0 - jnp.minimum(impossible, 1.0)
        return (nms_mask, possible)
    nms_mask, _ = jax.lax.fori_loop(0, N_MAX_OBJECTS, body, (jnp.zeros_like(p_raw), possible0))
    return nms_mask.astype(jnp.int32)

def reference(prob, bx_dimfull, by_dimfull, bw_dimfull, bh_dimfull):
    nms_mask = _compute_nms_mask(prob, bx_dimfull, by_dimfull, bw_dimfull, bh_dimfull)
    p_masked = prob[..., 0] * nms_mask.astype(jnp.float32)
    B, N = p_masked.shape
    k = min(N_MAX_OBJECTS, N)
    p_top_k, top_k_indices = jax.lax.top_k(p_masked, k)
    batch_indices = jnp.arange(B)[:, None]
    prob_out = p_masked[..., None][batch_indices, top_k_indices]
    bx_out = bx_dimfull[batch_indices, top_k_indices]
    by_out = by_dimfull[batch_indices, top_k_indices]
    bw_out = bw_dimfull[batch_indices, top_k_indices]
    bh_out = bh_dimfull[batch_indices, top_k_indices]
    return (prob_out, bx_out, by_out, bw_out, bh_out)

if __name__ == "__main__":
    import jax
    _d = setup_inputs()
    print(jax.jit(kernel)(*tuple(_d.values())))

</pallas_src>

<mosaic_0001>
#map = affine_map<(d0, d1) -> (0, 0)>
module attributes {stable_mosaic.version = 14 : i64} {
  func.func @_sc_body(%arg0: i32, %arg1: i32, %arg2: memref<4x5008xf32, #tpu.memory_space<hbm>>, %arg3: memref<4x5008xf32, #tpu.memory_space<hbm>>, %arg4: memref<4x5008xf32, #tpu.memory_space<hbm>>, %arg5: memref<4x5008xf32, #tpu.memory_space<hbm>>, %arg6: memref<4x5008xf32, #tpu.memory_space<hbm>>, %arg7: memref<4x32xf32, #tpu.memory_space<hbm>>, %arg8: memref<4x32xf32, #tpu.memory_space<hbm>>, %arg9: memref<4x32xf32, #tpu.memory_space<hbm>>, %arg10: memref<4x32xf32, #tpu.memory_space<hbm>>, %arg11: memref<4x32xf32, #tpu.memory_space<hbm>>, %arg12: memref<5008xf32, #tpu.memory_space<vmem>>, %arg13: memref<5008xf32, #tpu.memory_space<vmem>>, %arg14: memref<5008xf32, #tpu.memory_space<vmem>>, %arg15: memref<5008xf32, #tpu.memory_space<vmem>>, %arg16: memref<5008xf32, #tpu.memory_space<vmem>>, %arg17: memref<5008xf32, #tpu.memory_space<vmem>>, %arg18: memref<32xf32, #tpu.memory_space<vmem>>, %arg19: memref<32xf32, #tpu.memory_space<vmem>>, %arg20: memref<32xf32, #tpu.memory_space<vmem>>, %arg21: memref<32xf32, #tpu.memory_space<vmem>>, %arg22: memref<32xf32, #tpu.memory_space<vmem>>) attributes {dimension_semantics = [#tpu.dimension_semantics<core_parallel>, #tpu.dimension_semantics<subcore_parallel>], iteration_bounds = array<i64: 2, 16>, scalar_prefetch = 0 : i64, scratch_operands = 11 : i64, tpu.core_type = #tpu.core_type<sc_vector_subcore>, window_params = [{transform_indices = #map}, {transform_indices = #map}, {transform_indices = #map}, {transform_indices = #map}, {transform_indices = #map}, {transform_indices = #map}, {transform_indices = #map}, {transform_indices = #map}, {transform_indices = #map}, {transform_indices = #map}]} {
    %mul3A = arith.constant 2 : i32
    %mul3A_0 = arith.muli %arg1, %mul3A : i32
    %add3A = arith.addi %mul3A_0, %arg0 : i32
    %lt3A = arith.constant 4 : i32
    %lt3A_1 = arith.cmpi slt, %add3A, %lt3A : i32
    %convert_element_type3A = arith.extui %lt3A_1 : i1 to i32
    %cond3A = arith.constant 0 : i32
    %cond3A_2 = arith.cmpi ne, %convert_element_type3A, %cond3A : i32
    scf.if %cond3A_2 {
      "tpu.region"() ({
        %run_scoped3A = tpu.sem_alloc : memref<!tpu.dma_semaphore, #tpu.memory_space<semaphore_mem>>
        %dma_start3A = arith.constant 0 : i32
        %dma_start3A_16 = tpu.memref_slice %arg2[%add3A, %dma_start3A] : memref<4x5008xf32, #tpu.memory_space<hbm>> -> memref<1x5008xf32, #tpu.memory_space<hbm>>
        %dma_start3A_17 = tpu.memref_squeeze %dma_start3A_16 : memref<1x5008xf32, #tpu.memory_space<hbm>> -> memref<5008xf32, #tpu.memory_space<hbm>>
        %dma_start3A_18 = arith.constant 0 : i32
        %dma_start3A_19 = tpu.memref_slice %arg2[%add3A, %dma_start3A_18] : memref<4x5008xf32, #tpu.memory_space<hbm>> -> memref<1x5008xf32, #tpu.memory_space<hbm>>
        %dma_start3A_20 = tpu.memref_squeeze %dma_start3A_19 : memref<1x5008xf32, #tpu.memory_space<hbm>> -> memref<5008xf32, #tpu.memory_space<hbm>>
        tpu.enqueue_dma source(%dma_start3A_20 : memref<5008xf32, #tpu.memory_space<hbm>>) target(%arg12 : memref<5008xf32, #tpu.memory_space<vmem>>) target_semaphore(%run_scoped3A : memref<!tpu.dma_semaphore, #tpu.memory_space<semaphore_mem>>)
        %dma_wait3A = arith.constant 0 : i32
        %dma_wait3A_21 = tpu.memref_slice %arg2[%add3A, %dma_wait3A] : memref<4x5008xf32, #tpu.memory_space<hbm>> -> memref<1x5008xf32, #tpu.memory_space<hbm>>
        %dma_wait3A_22 = tpu.memref_squeeze %dma_wait3A_21 : memref<1x5008xf32, #tpu.memory_space<hbm>> -> memref<5008xf32, #tpu.memory_space<hbm>>
        %dma_wait3A_23 = arith.constant 0 : i32
        %dma_wait3A_24 = tpu.memref_slice %arg2[%add3A, %dma_wait3A_23] : memref<4x5008xf32, #tpu.memory_space<hbm>> -> memref<1x5008xf32, #tpu.memory_space<hbm>>
        %dma_wait3A_25 = tpu.memref_squeeze %dma_wait3A_24 : memref<1x5008xf32, #tpu.memory_space<hbm>> -> memref<5008xf32, #tpu.memory_space<hbm>>
        tpu.wait_dma2 semaphore(%run_scoped3A : memref<!tpu.dma_semaphore, #tpu.memory_space<semaphore_mem>>) src(%dma_wait3A_25 : memref<5008xf32, #tpu.memory_space<hbm>>) dst(%arg12 : memref<5008xf32, #tpu.memory_space<vmem>>)
        tpu.yield
      }) : () -> ()
      "tpu.region"() ({
        %run_scoped3A = tpu.sem_alloc : memref<!tpu.dma_semaphore, #tpu.memory_space<semaphore_mem>>
        %dma_start3A = arith.constant 0 : i32
        %dma_start3A_16 = tpu.memref_slice %arg3[%add3A, %dma_start3A] : memref<4x5008xf32, #tpu.memory_space<hbm>> -> memref<1x5008xf32, #tpu.memory_space<hbm>>
        %dma_start3A_17 = tpu.memref_squeeze %dma_start3A_16 : memref<1x5008xf32, #tpu.memory_space<hbm>> -> memref<5008xf32, #tpu.memory_space<hbm>>
        %dma_start3A_18 = arith.constant 0 : i32
        %dma_start3A_19 = tpu.memref_slice %arg3[%add3A, %dma_start3A_18] : memref<4x5008xf32, #tpu.memory_space<hbm>> -> memref<1x5008xf32, #tpu.memory_space<hbm>>
        %dma_start3A_20 = tpu.memref_squeeze %dma_start3A_19 : memref<1x5008xf32, #tpu.memory_space<hbm>> -> memref<5008xf32, #tpu.memory_space<hbm>>
        tpu.enqueue_dma source(%dma_start3A_20 : memref<5008xf32, #tpu.memory_space<hbm>>) target(%arg14 : memref<5008xf32, #tpu.memory_space<vmem>>) target_semaphore(%run_scoped3A : memref<!tpu.dma_semaphore, #tpu.memory_space<semaphore_mem>>)
        %dma_wait3A = arith.constant 0 : i32
        %dma_wait3A_21 = tpu.memref_slice %arg3[%add3A, %dma_wait3A] : memref<4x5008xf32, #tpu.memory_space<hbm>> -> memref<1x5008xf32, #tpu.memory_space<hbm>>
        %dma_wait3A_22 = tpu.memref_squeeze %dma_wait3A_21 : memref<1x5008xf32, #tpu.memory_space<hbm>> -> memref<5008xf32, #tpu.memory_space<hbm>>
        %dma_wait3A_23 = arith.constant 0 : i32
        %dma_wait3A_24 = tpu.memref_slice %arg3[%add3A, %dma_wait3A_23] : memref<4x5008xf32, #tpu.memory_space<hbm>> -> memref<1x5008xf32, #tpu.memory_space<hbm>>
        %dma_wait3A_25 = tpu.memref_squeeze %dma_wait3A_24 : memref<1x5008xf32, #tpu.memory_space<hbm>> -> memref<5008xf32, #tpu.memory_space<hbm>>
        tpu.wait_dma2 semaphore(%run_scoped3A : memref<!tpu.dma_semaphore, #tpu.memory_space<semaphore_mem>>) src(%dma_wait3A_25 : memref<5008xf32, #tpu.memory_space<hbm>>) dst(%arg14 : memref<5008xf32, #tpu.memory_space<vmem>>)
        tpu.yield
      }) : () -> ()
      "tpu.region"() ({
        %run_scoped3A = tpu.sem_alloc : memref<!tpu.dma_semaphore, #tpu.memory_space<semaphore_mem>>
        %dma_start3A = arith.constant 0 : i32
        %dma_start3A_16 = tpu.memref_slice %arg4[%add3A, %dma_start3A] : memref<4x5008xf32, #tpu.memory_space<hbm>> -> memref<1x5008xf32, #tpu.memory_space<hbm>>
        %dma_start3A_17 = tpu.memref_squeeze %dma_start3A_16 : memref<1x5008xf32, #tpu.memory_space<hbm>> -> memref<5008xf32, #tpu.memory_space<hbm>>
        %dma_start3A_18 = arith.constant 0 : i32
        %dma_start3A_19 = tpu.memref_slice %arg4[%add3A, %dma_start3A_18] : memref<4x5008xf32, #tpu.memory_space<hbm>> -> memref<1x5008xf32, #tpu.memory_space<hbm>>
        %dma_start3A_20 = tpu.memref_squeeze %dma_start3A_19 : memref<1x5008xf32, #tpu.memory_space<hbm>> -> memref<5008xf32, #tpu.memory_space<hbm>>
        tpu.enqueue_dma source(%dma_start3A_20 : memref<5008xf32, #tpu.memory_space<hbm>>) target(%arg15 : memref<5008xf32, #tpu.memory_space<vmem>>) target_semaphore(%run_scoped3A : memref<!tpu.dma_semaphore, #tpu.memory_space<semaphore_mem>>)
        %dma_wait3A = arith.constant 0 : i32
        %dma_wait3A_21 = tpu.memref_slice %arg4[%add3A, %dma_wait3A] : memref<4x5008xf32, #tpu.memory_space<hbm>> -> memref<1x5008xf32, #tpu.memory_space<hbm>>
        %dma_wait3A_22 = tpu.memref_squeeze %dma_wait3A_21 : memref<1x5008xf32, #tpu.memory_space<hbm>> -> memref<5008xf32, #tpu.memory_space<hbm>>
        %dma_wait3A_23 = arith.constant 0 : i32
        %dma_wait3A_24 = tpu.memref_slice %arg4[%add3A, %dma_wait3A_23] : memref<4x5008xf32, #tpu.memory_space<hbm>> -> memref<1x5008xf32, #tpu.memory_space<hbm>>
        %dma_wait3A_25 = tpu.memref_squeeze %dma_wait3A_24 : memref<1x5008xf32, #tpu.memory_space<hbm>> -> memref<5008xf32, #tpu.memory_space<hbm>>
        tpu.wait_dma2 semaphore(%run_scoped3A : memref<!tpu.dma_semaphore, #tpu.memory_space<semaphore_mem>>) src(%dma_wait3A_25 : memref<5008xf32, #tpu.memory_space<hbm>>) dst(%arg15 : memref<5008xf32, #tpu.memory_space<vmem>>)
        tpu.yield
      }) : () -> ()
      "tpu.region"() ({
        %run_scoped3A = tpu.sem_alloc : memref<!tpu.dma_semaphore, #tpu.memory_space<semaphore_mem>>
        %dma_start3A = arith.constant 0 : i32
        %dma_start3A_16 = tpu.memref_slice %arg5[%add3A, %dma_start3A] : memref<4x5008xf32, #tpu.memory_space<hbm>> -> memref<1x5008xf32, #tpu.memory_space<hbm>>
        %dma_start3A_17 = tpu.memref_squeeze %dma_start3A_16 : memref<1x5008xf32, #tpu.memory_space<hbm>> -> memref<5008xf32, #tpu.memory_space<hbm>>
        %dma_start3A_18 = arith.constant 0 : i32
        %dma_start3A_19 = tpu.memref_slice %arg5[%add3A, %dma_start3A_18] : memref<4x5008xf32, #tpu.memory_space<hbm>> -> memref<1x5008xf32, #tpu.memory_space<hbm>>
        %dma_start3A_20 = tpu.memref_squeeze %dma_start3A_19 : memref<1x5008xf32, #tpu.memory_space<hbm>> -> memref<5008xf32, #tpu.memory_space<hbm>>
        tpu.enqueue_dma source(%dma_start3A_20 : memref<5008xf32, #tpu.memory_space<hbm>>) target(%arg16 : memref<5008xf32, #tpu.memory_space<vmem>>) target_semaphore(%run_scoped3A : memref<!tpu.dma_semaphore, #tpu.memory_space<semaphore_mem>>)
        %dma_wait3A = arith.constant 0 : i32
        %dma_wait3A_21 = tpu.memref_slice %arg5[%add3A, %dma_wait3A] : memref<4x5008xf32, #tpu.memory_space<hbm>> -> memref<1x5008xf32, #tpu.memory_space<hbm>>
        %dma_wait3A_22 = tpu.memref_squeeze %dma_wait3A_21 : memref<1x5008xf32, #tpu.memory_space<hbm>> -> memref<5008xf32, #tpu.memory_space<hbm>>
        %dma_wait3A_23 = arith.constant 0 : i32
        %dma_wait3A_24 = tpu.memref_slice %arg5[%add3A, %dma_wait3A_23] : memref<4x5008xf32, #tpu.memory_space<hbm>> -> memref<1x5008xf32, #tpu.memory_space<hbm>>
        %dma_wait3A_25 = tpu.memref_squeeze %dma_wait3A_24 : memref<1x5008xf32, #tpu.memory_space<hbm>> -> memref<5008xf32, #tpu.memory_space<hbm>>
        tpu.wait_dma2 semaphore(%run_scoped3A : memref<!tpu.dma_semaphore, #tpu.memory_space<semaphore_mem>>) src(%dma_wait3A_25 : memref<5008xf32, #tpu.memory_space<hbm>>) dst(%arg16 : memref<5008xf32, #tpu.memory_space<vmem>>)
        tpu.yield
      }) : () -> ()
      "tpu.region"() ({
        %run_scoped3A = tpu.sem_alloc : memref<!tpu.dma_semaphore, #tpu.memory_space<semaphore_mem>>
        %dma_start3A = arith.constant 0 : i32
        %dma_start3A_16 = tpu.memref_slice %arg6[%add3A, %dma_start3A] : memref<4x5008xf32, #tpu.memory_space<hbm>> -> memref<1x5008xf32, #tpu.memory_space<hbm>>
        %dma_start3A_17 = tpu.memref_squeeze %dma_start3A_16 : memref<1x5008xf32, #tpu.memory_space<hbm>> -> memref<5008xf32, #tpu.memory_space<hbm>>
        %dma_start3A_18 = arith.constant 0 : i32
        %dma_start3A_19 = tpu.memref_slice %arg6[%add3A, %dma_start3A_18] : memref<4x5008xf32, #tpu.memory_space<hbm>> -> memref<1x5008xf32, #tpu.memory_space<hbm>>
        %dma_start3A_20 = tpu.memref_squeeze %dma_start3A_19 : memref<1x5008xf32, #tpu.memory_space<hbm>> -> memref<5008xf32, #tpu.memory_space<hbm>>
        tpu.enqueue_dma source(%dma_start3A_20 : memref<5008xf32, #tpu.memory_space<hbm>>) target(%arg17 : memref<5008xf32, #tpu.memory_space<vmem>>) target_semaphore(%run_scoped3A : memref<!tpu.dma_semaphore, #tpu.memory_space<semaphore_mem>>)
        %dma_wait3A = arith.constant 0 : i32
        %dma_wait3A_21 = tpu.memref_slice %arg6[%add3A, %dma_wait3A] : memref<4x5008xf32, #tpu.memory_space<hbm>> -> memref<1x5008xf32, #tpu.memory_space<hbm>>
        %dma_wait3A_22 = tpu.memref_squeeze %dma_wait3A_21 : memref<1x5008xf32, #tpu.memory_space<hbm>> -> memref<5008xf32, #tpu.memory_space<hbm>>
        %dma_wait3A_23 = arith.constant 0 : i32
        %dma_wait3A_24 = tpu.memref_slice %arg6[%add3A, %dma_wait3A_23] : memref<4x5008xf32, #tpu.memory_space<hbm>> -> memref<1x5008xf32, #tpu.memory_space<hbm>>
        %dma_wait3A_25 = tpu.memref_squeeze %dma_wait3A_24 : memref<1x5008xf32, #tpu.memory_space<hbm>> -> memref<5008xf32, #tpu.memory_space<hbm>>
        tpu.wait_dma2 semaphore(%run_scoped3A : memref<!tpu.dma_semaphore, #tpu.memory_space<semaphore_mem>>) src(%dma_wait3A_25 : memref<5008xf32, #tpu.memory_space<hbm>>) dst(%arg17 : memref<5008xf32, #tpu.memory_space<vmem>>)
        tpu.yield
      }) : () -> ()
      %iota3A = tpu.iota {dimensions = array<i32: 0>} : vector<16xi32>
      %scan3A = arith.constant 0 : i32
      %scan3A_3 = arith.constant 0 : i32
      %scan3A_4 = arith.constant 313 : i32
      %scan3A_5 = arith.addi %scan3A_3, %scan3A_4 : i32
      %scan3A_6 = arith.constant 1 : i32
      %scan3A_7 = scf.for %scan3A_16 = %scan3A_3 to %scan3A_5 step %scan3A_6 iter_args(%scan3A_17 = %scan3A) -> (i32)  : i32 {
        %mul3A_18 = arith.constant 16 : i32
        %mul3A_19 = arith.muli %scan3A_16, %mul3A_18 : i32
        %get3A = arith.index_cast %mul3A_19 : i32 to index
        %get3A_20 = tpu.vector_load %arg12[%get3A] {strides = array<i32>} : memref<5008xf32, #tpu.memory_space<vmem>>, vector<16xf32>,
        %get3A_21 = vector.shape_cast %get3A_20 : vector<16xf32> to vector<16xf32>
        %gt3A = arith.constant 1.000000e-01 : f32
        %gt3A_22 = vector.broadcast %gt3A : f32 to vector<16xf32>
        %gt3A_23 = arith.cmpf ogt, %get3A_21, %gt3A_22 : vector<16xf32>
        %jit3A = arith.constant 0.000000e+00 : f32
        %broadcast_in_dim3A = vector.broadcast %jit3A : f32 to vector<16xf32>
        %select_n3A = arith.select %gt3A_23, %get3A_21, %broadcast_in_dim3A : vector<16xi1>, vector<16xf32>
        %swap3A = arith.index_cast %mul3A_19 : i32 to index
        %swap3A_24 = tpu.vector_load %arg12[%swap3A] {strides = array<i32>} : memref<5008xf32, #tpu.memory_space<vmem>>, vector<16xf32>,
        %swap3A_25 = vector.shape_cast %swap3A_24 : vector<16xf32> to vector<16xf32>
        %swap3A_26 = vector.shape_cast %select_n3A : vector<16xf32> to vector<16xf32>
        tpu.vector_store %arg12[%swap3A], %swap3A_26 {strides = array<i32>} : memref<5008xf32, #tpu.memory_space<vmem>>, vector<16xf32>,
        %add3A_27 = vector.broadcast %mul3A_19 : i32 to vector<16xi32>
        %add3A_28 = arith.addi %iota3A, %add3A_27 : vector<16xi32>
        %ge3A = arith.constant 5000 : i32
        %ge3A_29 = vector.broadcast %ge3A : i32 to vector<16xi32>
        %ge3A_30 = arith.cmpi sge, %add3A_28, %ge3A_29 : vector<16xi32>
        %jit3A_31 = arith.constant 1.000000e+00 : f32
        %jit3A_32 = arith.constant 0.000000e+00 : f32
        %broadcast_in_dim3A_33 = vector.broadcast %jit3A_31 : f32 to vector<16xf32>
        %broadcast_in_dim3A_34 = vector.broadcast %jit3A_32 : f32 to vector<16xf32>
        %select_n3A_35 = arith.select %ge3A_30, %broadcast_in_dim3A_33, %broadcast_in_dim3A_34 : vector<16xi1>, vector<16xf32>
        %swap3A_36 = arith.index_cast %mul3A_19 : i32 to index
        %swap3A_37 = tpu.vector_load %arg13[%swap3A_36] {strides = array<i32>} : memref<5008xf32, #tpu.memory_space<vmem>>, vector<16xf32>,
        %swap3A_38 = vector.shape_cast %swap3A_37 : vector<16xf32> to vector<16xf32>
        %swap3A_39 = vector.shape_cast %select_n3A_35 : vector<16xf32> to vector<16xf32>
        tpu.vector_store %arg13[%swap3A_36], %swap3A_39 {strides = array<i32>} : memref<5008xf32, #tpu.memory_space<vmem>>, vector<16xf32>,
        %scan3A_40 = arith.constant 0 : i32
        scf.yield %scan3A_40 : i32
      }
      %scan3A_8 = arith.constant 313 : i32
      %scan3A_9 = arith.constant 0 : i32
      %scan3A_10 = arith.constant 0 : i32
      %scan3A_11 = arith.constant 20 : i32
      %scan3A_12 = arith.addi %scan3A_10, %scan3A_11 : i32
      %scan3A_13 = arith.constant 1 : i32
      %scan3A_14 = scf.for %scan3A_16 = %scan3A_10 to %scan3A_12 step %scan3A_13 iter_args(%scan3A_17 = %scan3A_9) -> (i32)  : i32 {
        %broadcast_in_dim3A = arith.constant 0.000000e+00 : f32
        %broadcast_in_dim3A_18 = vector.broadcast %broadcast_in_dim3A : f32 to vector<16xf32>
        %broadcast_in_dim3A_19 = arith.constant 1073741824 : i32
        %broadcast_in_dim3A_20 = vector.broadcast %broadcast_in_dim3A_19 : i32 to vector<16xi32>
        %broadcast_in_dim3A_21 = arith.constant 1073741824 : i32
        %broadcast_in_dim3A_22 = vector.broadcast %broadcast_in_dim3A_21 : i32 to vector<16xi32>
        %scan3A_23 = arith.constant 0 : i32
        %scan3A_24 = arith.constant 313 : i32
        %scan3A_25 = arith.addi %scan3A_23, %scan3A_24 : i32
        %scan3A_26 = arith.constant 1 : i32
        %scan3A_27:3 = scf.for %scan3A_298 = %scan3A_23 to %scan3A_25 step %scan3A_26 iter_args(%scan3A_299 = %broadcast_in_dim3A_18, %scan3A_300 = %broadcast_in_dim3A_20, %scan3A_301 = %broadcast_in_dim3A_22) -> (vector<16xf32>, vector<16xi32>, vector<16xi32>)  : i32 {
          %mul3A_302 = arith.constant 16 : i32
          %mul3A_303 = arith.muli %scan3A_298, %mul3A_302 : i32
          %get3A_304 = arith.index_cast %mul3A_303 : i32 to index
          %get3A_305 = tpu.vector_load %arg12[%get3A_304] {strides = array<i32>} : memref<5008xf32, #tpu.memory_space<vmem>>, vector<16xf32>,
          %get3A_306 = vector.shape_cast %get3A_305 : vector<16xf32> to vector<16xf32>
          %get3A_307 = arith.index_cast %mul3A_303 : i32 to index
          %get3A_308 = tpu.vector_load %arg13[%get3A_307] {strides = array<i32>} : memref<5008xf32, #tpu.memory_space<vmem>>, vector<16xf32>,
          %get3A_309 = vector.shape_cast %get3A_308 : vector<16xf32> to vector<16xf32>
          %add3A_310 = vector.broadcast %mul3A_303 : i32 to vector<16xi32>
          %add3A_311 = arith.addi %iota3A, %add3A_310 : vector<16xi32>
          %gt3A_312 = arith.cmpf ogt, %get3A_306, %scan3A_299 : vector<16xf32>
          %select_n3A_313 = arith.select %gt3A_312, %get3A_306, %scan3A_299 : vector<16xi1>, vector<16xf32>
          %select_n3A_314 = arith.select %gt3A_312, %add3A_311, %scan3A_300 : vector<16xi1>, vector<16xi32>
          %eq3A_315 = arith.constant 0.000000e+00 : f32
          %eq3A_316 = vector.broadcast %eq3A_315 : f32 to vector<16xf32>
          %eq3A_317 = arith.cmpf oeq, %get3A_309, %eq3A_316 : vector<16xf32>
          %jit3A_318 = arith.constant 1073741824 : i32
          %broadcast_in_dim3A_319 = vector.broadcast %jit3A_318 : i32 to vector<16xi32>
          %select_n3A_320 = arith.select %eq3A_317, %add3A_311, %broadcast_in_dim3A_319 : vector<16xi1>, vector<16xi32>
          %min3A_321 = arith.minsi %scan3A_301, %select_n3A_320 : vector<16xi32>
          scf.yield %select_n3A_313, %select_n3A_314, %min3A_321 : vector<16xf32>, vector<16xi32>, vector<16xi32>
        }
        %scan3A_28 = arith.constant 313 : i32
        %xor3A = arith.constant 8 : i32
        %xor3A_29 = vector.broadcast %xor3A : i32 to vector<16xi32>
        %xor3A_30 = arith.xori %iota3A, %xor3A_29 : vector<16xi32>
        %broadcast_in_dim3A_31 = vector.shape_cast %xor3A_30 : vector<16xi32> to vector<16x1xi32>
        %gather3A = vector.shape_cast %broadcast_in_dim3A_31 : vector<16x1xi32> to vector<16xi32>
        %gather3A_32 = tpu.dynamic_gather %scan3A_27#0[%gather3A] in [0] : vector<16xf32>, vector<16xi32> -> vector<16xf32>
        %max3A = arith.maximumf %scan3A_27#0, %gather3A_32 : vector<16xf32>
        %xor3A_33 = arith.constant 4 : i32
        %xor3A_34 = vector.broadcast %xor3A_33 : i32 to vector<16xi32>
        %xor3A_35 = arith.xori %iota3A, %xor3A_34 : vector<16xi32>
        %broadcast_in_dim3A_36 = vector.shape_cast %xor3A_35 : vector<16xi32> to vector<16x1xi32>
        %gather3A_37 = vector.shape_cast %broadcast_in_dim3A_36 : vector<16x1xi32> to vector<16xi32>
        %gather3A_38 = tpu.dynamic_gather %max3A[%gather3A_37] in [0] : vector<16xf32>, vector<16xi32> -> vector<16xf32>
        %max3A_39 = arith.maximumf %max3A, %gather3A_38 : vector<16xf32>
        %xor3A_40 = arith.constant 2 : i32
        %xor3A_41 = vector.broadcast %xor3A_40 : i32 to vector<16xi32>
        %xor3A_42 = arith.xori %iota3A, %xor3A_41 : vector<16xi32>
        %broadcast_in_dim3A_43 = vector.shape_cast %xor3A_42 : vector<16xi32> to vector<16x1xi32>
        %gather3A_44 = vector.shape_cast %broadcast_in_dim3A_43 : vector<16x1xi32> to vector<16xi32>
        %gather3A_45 = tpu.dynamic_gather %max3A_39[%gather3A_44] in [0] : vector<16xf32>, vector<16xi32> -> vector<16xf32>
        %max3A_46 = arith.maximumf %max3A_39, %gather3A_45 : vector<16xf32>
        %xor3A_47 = arith.constant 1 : i32
        %xor3A_48 = vector.broadcast %xor3A_47 : i32 to vector<16xi32>
        %xor3A_49 = arith.xori %iota3A, %xor3A_48 : vector<16xi32>
        %broadcast_in_dim3A_50 = vector.shape_cast %xor3A_49 : vector<16xi32> to vector<16x1xi32>
        %gather3A_51 = vector.shape_cast %broadcast_in_dim3A_50 : vector<16x1xi32> to vector<16xi32>
        %gather3A_52 = tpu.dynamic_gather %max3A_46[%gather3A_51] in [0] : vector<16xf32>, vector<16xi32> -> vector<16xf32>
        %max3A_53 = arith.maximumf %max3A_46, %gather3A_52 : vector<16xf32>
        %gt3A = arith.constant 0.000000e+00 : f32
        %gt3A_54 = vector.broadcast %gt3A : f32 to vector<16xf32>
        %gt3A_55 = arith.cmpf ogt, %max3A_53, %gt3A_54 : vector<16xf32>
        %eq3A = arith.cmpf oeq, %scan3A_27#0, %max3A_53 : vector<16xf32>
        %jit3A = arith.constant 1073741824 : i32
        %broadcast_in_dim3A_56 = vector.broadcast %jit3A : i32 to vector<16xi32>
        %select_n3A = arith.select %eq3A, %scan3A_27#1, %broadcast_in_dim3A_56 : vector<16xi1>, vector<16xi32>
        %xor3A_57 = arith.constant 8 : i32
        %xor3A_58 = vector.broadcast %xor3A_57 : i32 to vector<16xi32>
        %xor3A_59 = arith.xori %iota3A, %xor3A_58 : vector<16xi32>
        %broadcast_in_dim3A_60 = vector.shape_cast %xor3A_59 : vector<16xi32> to vector<16x1xi32>
        %gather3A_61 = vector.shape_cast %broadcast_in_dim3A_60 : vector<16x1xi32> to vector<16xi32>
        %gather3A_62 = tpu.dynamic_gather %select_n3A[%gather3A_61] in [0] : vector<16xi32>, vector<16xi32> -> vector<16xi32>
        %min3A = arith.minsi %select_n3A, %gather3A_62 : vector<16xi32>
        %xor3A_63 = arith.constant 4 : i32
        %xor3A_64 = vector.broadcast %xor3A_63 : i32 to vector<16xi32>
        %xor3A_65 = arith.xori %iota3A, %xor3A_64 : vector<16xi32>
        %broadcast_in_dim3A_66 = vector.shape_cast %xor3A_65 : vector<16xi32> to vector<16x1xi32>
        %gather3A_67 = vector.shape_cast %broadcast_in_dim3A_66 : vector<16x1xi32> to vector<16xi32>
        %gather3A_68 = tpu.dynamic_gather %min3A[%gather3A_67] in [0] : vector<16xi32>, vector<16xi32> -> vector<16xi32>
        %min3A_69 = arith.minsi %min3A, %gather3A_68 : vector<16xi32>
        %xor3A_70 = arith.constant 2 : i32
        %xor3A_71 = vector.broadcast %xor3A_70 : i32 to vector<16xi32>
        %xor3A_72 = arith.xori %iota3A, %xor3A_71 : vector<16xi32>
        %broadcast_in_dim3A_73 = vector.shape_cast %xor3A_72 : vector<16xi32> to vector<16x1xi32>
        %gather3A_74 = vector.shape_cast %broadcast_in_dim3A_73 : vector<16x1xi32> to vector<16xi32>
        %gather3A_75 = tpu.dynamic_gather %min3A_69[%gather3A_74] in [0] : vector<16xi32>, vector<16xi32> -> vector<16xi32>
        %min3A_76 = arith.minsi %min3A_69, %gather3A_75 : vector<16xi32>
        %xor3A_77 = arith.constant 1 : i32
        %xor3A_78 = vector.broadcast %xor3A_77 : i32 to vector<16xi32>
        %xor3A_79 = arith.xori %iota3A, %xor3A_78 : vector<16xi32>
        %broadcast_in_dim3A_80 = vector.shape_cast %xor3A_79 : vector<16xi32> to vector<16x1xi32>
        %gather3A_81 = vector.shape_cast %broadcast_in_dim3A_80 : vector<16x1xi32> to vector<16xi32>
        %gather3A_82 = tpu.dynamic_gather %min3A_76[%gather3A_81] in [0] : vector<16xi32>, vector<16xi32> -> vector<16xi32>
        %min3A_83 = arith.minsi %min3A_76, %gather3A_82 : vector<16xi32>
        %xor3A_84 = arith.constant 8 : i32
        %xor3A_85 = vector.broadcast %xor3A_84 : i32 to vector<16xi32>
        %xor3A_86 = arith.xori %iota3A, %xor3A_85 : vector<16xi32>
        %broadcast_in_dim3A_87 = vector.shape_cast %xor3A_86 : vector<16xi32> to vector<16x1xi32>
        %gather3A_88 = vector.shape_cast %broadcast_in_dim3A_87 : vector<16x1xi32> to vector<16xi32>
        %gather3A_89 = tpu.dynamic_gather %scan3A_27#2[%gather3A_88] in [0] : vector<16xi32>, vector<16xi32> -> vector<16xi32>
        %min3A_90 = arith.minsi %scan3A_27#2, %gather3A_89 : vector<16xi32>
        %xor3A_91 = arith.constant 4 : i32
        %xor3A_92 = vector.broadcast %xor3A_91 : i32 to vector<16xi32>
        %xor3A_93 = arith.xori %iota3A, %xor3A_92 : vector<16xi32>
        %broadcast_in_dim3A_94 = vector.shape_cast %xor3A_93 : vector<16xi32> to vector<16x1xi32>
        %gather3A_95 = vector.shape_cast %broadcast_in_dim3A_94 : vector<16x1xi32> to vector<16xi32>
        %gather3A_96 = tpu.dynamic_gather %min3A_90[%gather3A_95] in [0] : vector<16xi32>, vector<16xi32> -> vector<16xi32>
        %min3A_97 = arith.minsi %min3A_90, %gather3A_96 : vector<16xi32>
        %xor3A_98 = arith.constant 2 : i32
        %xor3A_99 = vector.broadcast %xor3A_98 : i32 to vector<16xi32>
        %xor3A_100 = arith.xori %iota3A, %xor3A_99 : vector<16xi32>
        %broadcast_in_dim3A_101 = vector.shape_cast %xor3A_100 : vector<16xi32> to vector<16x1xi32>
        %gather3A_102 = vector.shape_cast %broadcast_in_dim3A_101 : vector<16x1xi32> to vector<16xi32>
        %gather3A_103 = tpu.dynamic_gather %min3A_97[%gather3A_102] in [0] : vector<16xi32>, vector<16xi32> -> vector<16xi32>
        %min3A_104 = arith.minsi %min3A_97, %gather3A_103 : vector<16xi32>
        %xor3A_105 = arith.constant 1 : i32
        %xor3A_106 = vector.broadcast %xor3A_105 : i32 to vector<16xi32>
        %xor3A_107 = arith.xori %iota3A, %xor3A_106 : vector<16xi32>
        %broadcast_in_dim3A_108 = vector.shape_cast %xor3A_107 : vector<16xi32> to vector<16x1xi32>
        %gather3A_109 = vector.shape_cast %broadcast_in_dim3A_108 : vector<16x1xi32> to vector<16xi32>
        %gather3A_110 = tpu.dynamic_gather %min3A_104[%gather3A_109] in [0] : vector<16xi32>, vector<16xi32> -> vector<16xi32>
        %min3A_111 = arith.minsi %min3A_104, %gather3A_110 : vector<16xi32>
        %select_n3A_112 = arith.select %gt3A_55, %min3A_83, %min3A_111 : vector<16xi1>, vector<16xi32>
        %slice3A = vector.extract_strided_slice %select_n3A_112 {offsets = [0], sizes = [1], strides = [1]} : vector<16xi32> to vector<1xi32>
        %squeeze3A = vector.extract %slice3A[0] : i32 from vector<1xi32>
        %jit3A_113 = arith.constant 0.000000e+00 : f32
        %broadcast_in_dim3A_114 = vector.broadcast %jit3A_113 : f32 to vector<16xf32>
        %select_n3A_115 = arith.select %gt3A_55, %max3A_53, %broadcast_in_dim3A_114 : vector<16xi1>, vector<16xf32>
        %jit3A_116 = arith.constant 1.000000e+00 : f32
        %jit3A_117 = arith.constant 0.000000e+00 : f32
        %broadcast_in_dim3A_118 = vector.broadcast %jit3A_116 : f32 to vector<16xf32>
        %broadcast_in_dim3A_119 = vector.broadcast %jit3A_117 : f32 to vector<16xf32>
        %select_n3A_120 = arith.select %gt3A_55, %broadcast_in_dim3A_118, %broadcast_in_dim3A_119 : vector<16xi1>, vector<16xf32>
        %jit3A_121 = arith.constant 16 : i32
        %div3A = arith.divsi %squeeze3A, %jit3A_121 : i32
        %sign3A = arith.constant 0 : i32
        %sign3A_122 = arith.cmpi sgt, %squeeze3A, %sign3A : i32
        %sign3A_123 = arith.extui %sign3A_122 : i1 to i32
        %sign3A_124 = arith.constant 0 : i32
        %sign3A_125 = arith.cmpi slt, %squeeze3A, %sign3A_124 : i32
        %sign3A_126 = arith.extui %sign3A_125 : i1 to i32
        %sign3A_127 = arith.subi %sign3A_123, %sign3A_126 : i32
        %sign3A_128 = arith.constant 0 : i32
        %sign3A_129 = arith.cmpi sgt, %jit3A_121, %sign3A_128 : i32
        %sign3A_130 = arith.extui %sign3A_129 : i1 to i32
        %sign3A_131 = arith.constant 0 : i32
        %sign3A_132 = arith.cmpi slt, %jit3A_121, %sign3A_131 : i32
        %sign3A_133 = arith.extui %sign3A_132 : i1 to i32
        %sign3A_134 = arith.subi %sign3A_130, %sign3A_133 : i32
        %ne3A = arith.cmpi ne, %sign3A_127, %sign3A_134 : i32
        %rem3A = arith.remsi %squeeze3A, %jit3A_121 : i32
        %ne3A_135 = arith.constant 0 : i32
        %ne3A_136 = arith.cmpi ne, %rem3A, %ne3A_135 : i32
        %and3A = arith.andi %ne3A, %ne3A_136 : i1
        %sub3A = arith.constant 1 : i32
        %sub3A_137 = arith.subi %div3A, %sub3A : i32
        %select_n3A_138 = arith.select %and3A, %sub3A_137, %div3A : i32
        %mul3A_139 = arith.constant 16 : i32
        %mul3A_140 = arith.muli %select_n3A_138, %mul3A_139 : i32
        %sub3A_141 = vector.broadcast %mul3A_140 : i32 to vector<16xi32>
        %sub3A_142 = arith.subi %select_n3A_112, %sub3A_141 : vector<16xi32>
        %get3A = arith.index_cast %mul3A_140 : i32 to index
        %get3A_143 = tpu.vector_load %arg14[%get3A] {strides = array<i32>} : memref<5008xf32, #tpu.memory_space<vmem>>, vector<16xf32>,
        %get3A_144 = vector.shape_cast %get3A_143 : vector<16xf32> to vector<16xf32>
        %broadcast_in_dim3A_145 = vector.shape_cast %sub3A_142 : vector<16xi32> to vector<16x1xi32>
        %gather3A_146 = vector.shape_cast %broadcast_in_dim3A_145 : vector<16x1xi32> to vector<16xi32>
        %gather3A_147 = tpu.dynamic_gather %get3A_144[%gather3A_146] in [0] : vector<16xf32>, vector<16xi32> -> vector<16xf32>
        %get3A_148 = arith.index_cast %mul3A_140 : i32 to index
        %get3A_149 = tpu.vector_load %arg15[%get3A_148] {strides = array<i32>} : memref<5008xf32, #tpu.memory_space<vmem>>, vector<16xf32>,
        %get3A_150 = vector.shape_cast %get3A_149 : vector<16xf32> to vector<16xf32>
        %broadcast_in_dim3A_151 = vector.shape_cast %sub3A_142 : vector<16xi32> to vector<16x1xi32>
        %gather3A_152 = vector.shape_cast %broadcast_in_dim3A_151 : vector<16x1xi32> to vector<16xi32>
        %gather3A_153 = tpu.dynamic_gather %get3A_150[%gather3A_152] in [0] : vector<16xf32>, vector<16xi32> -> vector<16xf32>
        %get3A_154 = arith.index_cast %mul3A_140 : i32 to index
        %get3A_155 = tpu.vector_load %arg16[%get3A_154] {strides = array<i32>} : memref<5008xf32, #tpu.memory_space<vmem>>, vector<16xf32>,
        %get3A_156 = vector.shape_cast %get3A_155 : vector<16xf32> to vector<16xf32>
        %broadcast_in_dim3A_157 = vector.shape_cast %sub3A_142 : vector<16xi32> to vector<16x1xi32>
        %gather3A_158 = vector.shape_cast %broadcast_in_dim3A_157 : vector<16x1xi32> to vector<16xi32>
        %gather3A_159 = tpu.dynamic_gather %get3A_156[%gather3A_158] in [0] : vector<16xf32>, vector<16xi32> -> vector<16xf32>
        %get3A_160 = arith.index_cast %mul3A_140 : i32 to index
        %get3A_161 = tpu.vector_load %arg17[%get3A_160] {strides = array<i32>} : memref<5008xf32, #tpu.memory_space<vmem>>, vector<16xf32>,
        %get3A_162 = vector.shape_cast %get3A_161 : vector<16xf32> to vector<16xf32>
        %broadcast_in_dim3A_163 = vector.shape_cast %sub3A_142 : vector<16xi32> to vector<16x1xi32>
        %gather3A_164 = vector.shape_cast %broadcast_in_dim3A_163 : vector<16x1xi32> to vector<16xi32>
        %gather3A_165 = tpu.dynamic_gather %get3A_162[%gather3A_164] in [0] : vector<16xf32>, vector<16xi32> -> vector<16xf32>
        %mul3A_166 = arith.constant 5.000000e-01 : f32
        %mul3A_167 = vector.broadcast %mul3A_166 : f32 to vector<16xf32>
        %mul3A_168 = arith.mulf %mul3A_167, %gather3A_159 : vector<16xf32>
        %sub3A_169 = arith.subf %gather3A_147, %mul3A_168 : vector<16xf32>
        %mul3A_170 = arith.constant 5.000000e-01 : f32
        %mul3A_171 = vector.broadcast %mul3A_170 : f32 to vector<16xf32>
        %mul3A_172 = arith.mulf %mul3A_171, %gather3A_159 : vector<16xf32>
        %add3A_173 = arith.addf %gather3A_147, %mul3A_172 : vector<16xf32>
        %mul3A_174 = arith.constant 5.000000e-01 : f32
        %mul3A_175 = vector.broadcast %mul3A_174 : f32 to vector<16xf32>
        %mul3A_176 = arith.mulf %mul3A_175, %gather3A_165 : vector<16xf32>
        %sub3A_177 = arith.subf %gather3A_153, %mul3A_176 : vector<16xf32>
        %mul3A_178 = arith.constant 5.000000e-01 : f32
        %mul3A_179 = vector.broadcast %mul3A_178 : f32 to vector<16xf32>
        %mul3A_180 = arith.mulf %mul3A_179, %gather3A_165 : vector<16xf32>
        %add3A_181 = arith.addf %gather3A_153, %mul3A_180 : vector<16xf32>
        %mul3A_182 = arith.mulf %gather3A_159, %gather3A_165 : vector<16xf32>
        %scan3A_183 = arith.constant 0 : i32
        %scan3A_184 = arith.constant 0 : i32
        %scan3A_185 = arith.constant 313 : i32
        %scan3A_186 = arith.addi %scan3A_184, %scan3A_185 : i32
        %scan3A_187 = arith.constant 1 : i32
        %scan3A_188 = scf.for %scan3A_298 = %scan3A_184 to %scan3A_186 step %scan3A_187 iter_args(%scan3A_299 = %scan3A_183) -> (i32)  : i32 {
          %mul3A_300 = arith.constant 16 : i32
          %mul3A_301 = arith.muli %scan3A_298, %mul3A_300 : i32
          %get3A_302 = arith.index_cast %mul3A_301 : i32 to index
          %get3A_303 = tpu.vector_load %arg14[%get3A_302] {strides = array<i32>} : memref<5008xf32, #tpu.memory_space<vmem>>, vector<16xf32>,
          %get3A_304 = vector.shape_cast %get3A_303 : vector<16xf32> to vector<16xf32>
          %get3A_305 = arith.index_cast %mul3A_301 : i32 to index
          %get3A_306 = tpu.vector_load %arg15[%get3A_305] {strides = array<i32>} : memref<5008xf32, #tpu.memory_space<vmem>>, vector<16xf32>,
          %get3A_307 = vector.shape_cast %get3A_306 : vector<16xf32> to vector<16xf32>
          %get3A_308 = arith.index_cast %mul3A_301 : i32 to index
          %get3A_309 = tpu.vector_load %arg16[%get3A_308] {strides = array<i32>} : memref<5008xf32, #tpu.memory_space<vmem>>, vector<16xf32>,
          %get3A_310 = vector.shape_cast %get3A_309 : vector<16xf32> to vector<16xf32>
          %get3A_311 = arith.index_cast %mul3A_301 : i32 to index
          %get3A_312 = tpu.vector_load %arg17[%get3A_311] {strides = array<i32>} : memref<5008xf32, #tpu.memory_space<vmem>>, vector<16xf32>,
          %get3A_313 = vector.shape_cast %get3A_312 : vector<16xf32> to vector<16xf32>
          %get3A_314 = arith.index_cast %mul3A_301 : i32 to index
          %get3A_315 = tpu.vector_load %arg12[%get3A_314] {strides = array<i32>} : memref<5008xf32, #tpu.memory_space<vmem>>, vector<16xf32>,
          %get3A_316 = vector.shape_cast %get3A_315 : vector<16xf32> to vector<16xf32>
          %mul3A_317 = arith.constant 5.000000e-01 : f32
          %mul3A_318 = vector.broadcast %mul3A_317 : f32 to vector<16xf32>
          %mul3A_319 = arith.mulf %mul3A_318, %get3A_310 : vector<16xf32>
          %sub3A_320 = arith.subf %get3A_304, %mul3A_319 : vector<16xf32>
          %mul3A_321 = arith.constant 5.000000e-01 : f32
          %mul3A_322 = vector.broadcast %mul3A_321 : f32 to vector<16xf32>
          %mul3A_323 = arith.mulf %mul3A_322, %get3A_310 : vector<16xf32>
          %add3A_324 = arith.addf %get3A_304, %mul3A_323 : vector<16xf32>
          %mul3A_325 = arith.constant 5.000000e-01 : f32
          %mul3A_326 = vector.broadcast %mul3A_325 : f32 to vector<16xf32>
          %mul3A_327 = arith.mulf %mul3A_326, %get3A_313 : vector<16xf32>
          %sub3A_328 = arith.subf %get3A_307, %mul3A_327 : vector<16xf32>
          %mul3A_329 = arith.constant 5.000000e-01 : f32
          %mul3A_330 = vector.broadcast %mul3A_329 : f32 to vector<16xf32>
          %mul3A_331 = arith.mulf %mul3A_330, %get3A_313 : vector<16xf32>
          %add3A_332 = arith.addf %get3A_307, %mul3A_331 : vector<16xf32>
          %mul3A_333 = arith.mulf %get3A_310, %get3A_313 : vector<16xf32>
          %min3A_334 = arith.minimumf %add3A_324, %add3A_173 : vector<16xf32>
          %max3A_335 = arith.maximumf %sub3A_320, %sub3A_169 : vector<16xf32>
          %sub3A_336 = arith.subf %min3A_334, %max3A_335 : vector<16xf32>
          %max3A_337 = arith.constant 0.000000e+00 : f32
          %max3A_338 = vector.broadcast %max3A_337 : f32 to vector<16xf32>
          %max3A_339 = arith.maximumf %sub3A_336, %max3A_338 : vector<16xf32>
          %min3A_340 = arith.minimumf %add3A_332, %add3A_181 : vector<16xf32>
          %max3A_341 = arith.maximumf %sub3A_328, %sub3A_177 : vector<16xf32>
          %sub3A_342 = arith.subf %min3A_340, %max3A_341 : vector<16xf32>
          %max3A_343 = arith.constant 0.000000e+00 : f32
          %max3A_344 = vector.broadcast %max3A_343 : f32 to vector<16xf32>
          %max3A_345 = arith.maximumf %sub3A_342, %max3A_344 : vector<16xf32>
          %mul3A_346 = arith.mulf %max3A_339, %max3A_345 : vector<16xf32>
          %min3A_347 = arith.minimumf %mul3A_333, %mul3A_182 : vector<16xf32>
          %div3A_348 = arith.divf %mul3A_346, %min3A_347 : vector<16xf32>
          %gt3A_349 = arith.constant 3.000000e-01 : f32
          %gt3A_350 = vector.broadcast %gt3A_349 : f32 to vector<16xf32>
          %gt3A_351 = arith.cmpf ogt, %div3A_348, %gt3A_350 : vector<16xf32>
          %jit3A_352 = arith.constant 1.000000e+00 : f32
          %jit3A_353 = arith.constant 0.000000e+00 : f32
          %broadcast_in_dim3A_354 = vector.broadcast %jit3A_352 : f32 to vector<16xf32>
          %broadcast_in_dim3A_355 = vector.broadcast %jit3A_353 : f32 to vector<16xf32>
          %select_n3A_356 = arith.select %gt3A_351, %broadcast_in_dim3A_354, %broadcast_in_dim3A_355 : vector<16xi1>, vector<16xf32>
          %mul3A_357 = arith.mulf %select_n3A_120, %select_n3A_356 : vector<16xf32>
          %sub3A_358 = arith.constant 1.000000e+00 : f32
          %sub3A_359 = vector.broadcast %sub3A_358 : f32 to vector<16xf32>
          %sub3A_360 = arith.subf %sub3A_359, %mul3A_357 : vector<16xf32>
          %mul3A_361 = arith.mulf %get3A_316, %sub3A_360 : vector<16xf32>
          %swap3A_362 = arith.index_cast %mul3A_301 : i32 to index
          %swap3A_363 = tpu.vector_load %arg12[%swap3A_362] {strides = array<i32>} : memref<5008xf32, #tpu.memory_space<vmem>>, vector<16xf32>,
          %swap3A_364 = vector.shape_cast %swap3A_363 : vector<16xf32> to vector<16xf32>
          %swap3A_365 = vector.shape_cast %mul3A_361 : vector<16xf32> to vector<16xf32>
          tpu.vector_store %arg12[%swap3A_362], %swap3A_365 {strides = array<i32>} : memref<5008xf32, #tpu.memory_space<vmem>>, vector<16xf32>,
          %scan3A_366 = arith.constant 0 : i32
          scf.yield %scan3A_366 : i32
        }
        %scan3A_189 = arith.constant 313 : i32
        %jit3A_190 = arith.constant 16 : i32
        %div3A_191 = arith.divsi %squeeze3A, %jit3A_190 : i32
        %sign3A_192 = arith.constant 0 : i32
        %sign3A_193 = arith.cmpi sgt, %squeeze3A, %sign3A_192 : i32
        %sign3A_194 = arith.extui %sign3A_193 : i1 to i32
        %sign3A_195 = arith.constant 0 : i32
        %sign3A_196 = arith.cmpi slt, %squeeze3A, %sign3A_195 : i32
        %sign3A_197 = arith.extui %sign3A_196 : i1 to i32
        %sign3A_198 = arith.subi %sign3A_194, %sign3A_197 : i32
        %sign3A_199 = arith.constant 0 : i32
        %sign3A_200 = arith.cmpi sgt, %jit3A_190, %sign3A_199 : i32
        %sign3A_201 = arith.extui %sign3A_200 : i1 to i32
        %sign3A_202 = arith.constant 0 : i32
        %sign3A_203 = arith.cmpi slt, %jit3A_190, %sign3A_202 : i32
        %sign3A_204 = arith.extui %sign3A_203 : i1 to i32
        %sign3A_205 = arith.subi %sign3A_201, %sign3A_204 : i32
        %ne3A_206 = arith.cmpi ne, %sign3A_198, %sign3A_205 : i32
        %rem3A_207 = arith.remsi %squeeze3A, %jit3A_190 : i32
        %ne3A_208 = arith.constant 0 : i32
        %ne3A_209 = arith.cmpi ne, %rem3A_207, %ne3A_208 : i32
        %and3A_210 = arith.andi %ne3A_206, %ne3A_209 : i1
        %sub3A_211 = arith.constant 1 : i32
        %sub3A_212 = arith.subi %div3A_191, %sub3A_211 : i32
        %select_n3A_213 = arith.select %and3A_210, %sub3A_212, %div3A_191 : i32
        %mul3A_214 = arith.constant 16 : i32
        %mul3A_215 = arith.muli %select_n3A_213, %mul3A_214 : i32
        %sub3A_216 = arith.subi %squeeze3A, %mul3A_215 : i32
        %get3A_217 = arith.index_cast %mul3A_215 : i32 to index
        %get3A_218 = tpu.vector_load %arg13[%get3A_217] {strides = array<i32>} : memref<5008xf32, #tpu.memory_space<vmem>>, vector<16xf32>,
        %get3A_219 = vector.shape_cast %get3A_218 : vector<16xf32> to vector<16xf32>
        %eq3A_220 = vector.broadcast %sub3A_216 : i32 to vector<16xi32>
        %eq3A_221 = arith.cmpi eq, %iota3A, %eq3A_220 : vector<16xi32>
        %jit3A_222 = arith.constant 1.000000e+00 : f32
        %broadcast_in_dim3A_223 = vector.broadcast %jit3A_222 : f32 to vector<16xf32>
        %select_n3A_224 = arith.select %eq3A_221, %broadcast_in_dim3A_223, %get3A_219 : vector<16xi1>, vector<16xf32>
        %swap3A = arith.index_cast %mul3A_215 : i32 to index
        %swap3A_225 = tpu.vector_load %arg13[%swap3A] {strides = array<i32>} : memref<5008xf32, #tpu.memory_space<vmem>>, vector<16xf32>,
        %swap3A_226 = vector.shape_cast %swap3A_225 : vector<16xf32> to vector<16xf32>
        %swap3A_227 = vector.shape_cast %select_n3A_224 : vector<16xf32> to vector<16xf32>
        tpu.vector_store %arg13[%swap3A], %swap3A_227 {strides = array<i32>} : memref<5008xf32, #tpu.memory_space<vmem>>, vector<16xf32>,
        %jit3A_228 = arith.constant 16 : i32
        %div3A_229 = arith.divsi %scan3A_16, %jit3A_228 : i32
        %sign3A_230 = arith.constant 0 : i32
        %sign3A_231 = arith.cmpi sgt, %scan3A_16, %sign3A_230 : i32
        %sign3A_232 = arith.extui %sign3A_231 : i1 to i32
        %sign3A_233 = arith.constant 0 : i32
        %sign3A_234 = arith.cmpi slt, %scan3A_16, %sign3A_233 : i32
        %sign3A_235 = arith.extui %sign3A_234 : i1 to i32
        %sign3A_236 = arith.subi %sign3A_232, %sign3A_235 : i32
        %sign3A_237 = arith.constant 0 : i32
        %sign3A_238 = arith.cmpi sgt, %jit3A_228, %sign3A_237 : i32
        %sign3A_239 = arith.extui %sign3A_238 : i1 to i32
        %sign3A_240 = arith.constant 0 : i32
        %sign3A_241 = arith.cmpi slt, %jit3A_228, %sign3A_240 : i32
        %sign3A_242 = arith.extui %sign3A_241 : i1 to i32
        %sign3A_243 = arith.subi %sign3A_239, %sign3A_242 : i32
        %ne3A_244 = arith.cmpi ne, %sign3A_236, %sign3A_243 : i32
        %rem3A_245 = arith.remsi %scan3A_16, %jit3A_228 : i32
        %ne3A_246 = arith.constant 0 : i32
        %ne3A_247 = arith.cmpi ne, %rem3A_245, %ne3A_246 : i32
        %and3A_248 = arith.andi %ne3A_244, %ne3A_247 : i1
        %sub3A_249 = arith.constant 1 : i32
        %sub3A_250 = arith.subi %div3A_229, %sub3A_249 : i32
        %select_n3A_251 = arith.select %and3A_248, %sub3A_250, %div3A_229 : i32
        %mul3A_252 = arith.constant 16 : i32
        %mul3A_253 = arith.muli %select_n3A_251, %mul3A_252 : i32
        %sub3A_254 = arith.subi %scan3A_16, %mul3A_253 : i32
        %eq3A_255 = vector.broadcast %sub3A_254 : i32 to vector<16xi32>
        %eq3A_256 = arith.cmpi eq, %iota3A, %eq3A_255 : vector<16xi32>
        %get3A_257 = arith.index_cast %mul3A_253 : i32 to index
        %get3A_258 = tpu.vector_load %arg18[%get3A_257] {strides = array<i32>} : memref<32xf32, #tpu.memory_space<vmem>>, vector<16xf32>,
        %get3A_259 = vector.shape_cast %get3A_258 : vector<16xf32> to vector<16xf32>
        %select_n3A_260 = arith.select %eq3A_256, %select_n3A_115, %get3A_259 : vector<16xi1>, vector<16xf32>
        %swap3A_261 = arith.index_cast %mul3A_253 : i32 to index
        %swap3A_262 = tpu.vector_load %arg18[%swap3A_261] {strides = array<i32>} : memref<32xf32, #tpu.memory_space<vmem>>, vector<16xf32>,
        %swap3A_263 = vector.shape_cast %swap3A_262 : vector<16xf32> to vector<16xf32>
        %swap3A_264 = vector.shape_cast %select_n3A_260 : vector<16xf32> to vector<16xf32>
        tpu.vector_store %arg18[%swap3A_261], %swap3A_264 {strides = array<i32>} : memref<32xf32, #tpu.memory_space<vmem>>, vector<16xf32>,
        %get3A_265 = arith.index_cast %mul3A_253 : i32 to index
        %get3A_266 = tpu.vector_load %arg19[%get3A_265] {strides = array<i32>} : memref<32xf32, #tpu.memory_space<vmem>>, vector<16xf32>,
        %get3A_267 = vector.shape_cast %get3A_266 : vector<16xf32> to vector<16xf32>
        %select_n3A_268 = arith.select %eq3A_256, %gather3A_147, %get3A_267 : vector<16xi1>, vector<16xf32>
        %swap3A_269 = arith.index_cast %mul3A_253 : i32 to index
        %swap3A_270 = tpu.vector_load %arg19[%swap3A_269] {strides = array<i32>} : memref<32xf32, #tpu.memory_space<vmem>>, vector<16xf32>,
        %swap3A_271 = vector.shape_cast %swap3A_270 : vector<16xf32> to vector<16xf32>
        %swap3A_272 = vector.shape_cast %select_n3A_268 : vector<16xf32> to vector<16xf32>
        tpu.vector_store %arg19[%swap3A_269], %swap3A_272 {strides = array<i32>} : memref<32xf32, #tpu.memory_space<vmem>>, vector<16xf32>,
        %get3A_273 = arith.index_cast %mul3A_253 : i32 to index
        %get3A_274 = tpu.vector_load %arg20[%get3A_273] {strides = array<i32>} : memref<32xf32, #tpu.memory_space<vmem>>, vector<16xf32>,
        %get3A_275 = vector.shape_cast %get3A_274 : vector<16xf32> to vector<16xf32>
        %select_n3A_276 = arith.select %eq3A_256, %gather3A_153, %get3A_275 : vector<16xi1>, vector<16xf32>
        %swap3A_277 = arith.index_cast %mul3A_253 : i32 to index
        %swap3A_278 = tpu.vector_load %arg20[%swap3A_277] {strides = array<i32>} : memref<32xf32, #tpu.memory_space<vmem>>, vector<16xf32>,
        %swap3A_279 = vector.shape_cast %swap3A_278 : vector<16xf32> to vector<16xf32>
        %swap3A_280 = vector.shape_cast %select_n3A_276 : vector<16xf32> to vector<16xf32>
        tpu.vector_store %arg20[%swap3A_277], %swap3A_280 {strides = array<i32>} : memref<32xf32, #tpu.memory_space<vmem>>, vector<16xf32>,
        %get3A_281 = arith.index_cast %mul3A_253 : i32 to index
        %get3A_282 = tpu.vector_load %arg21[%get3A_281] {strides = array<i32>} : memref<32xf32, #tpu.memory_space<vmem>>, vector<16xf32>,
        %get3A_283 = vector.shape_cast %get3A_282 : vector<16xf32> to vector<16xf32>
        %select_n3A_284 = arith.select %eq3A_256, %gather3A_159, %get3A_283 : vector<16xi1>, vector<16xf32>
        %swap3A_285 = arith.index_cast %mul3A_253 : i32 to index
        %swap3A_286 = tpu.vector_load %arg21[%swap3A_285] {strides = array<i32>} : memref<32xf32, #tpu.memory_space<vmem>>, vector<16xf32>,
        %swap3A_287 = vector.shape_cast %swap3A_286 : vector<16xf32> to vector<16xf32>
        %swap3A_288 = vector.shape_cast %select_n3A_284 : vector<16xf32> to vector<16xf32>
        tpu.vector_store %arg21[%swap3A_285], %swap3A_288 {strides = array<i32>} : memref<32xf32, #tpu.memory_space<vmem>>, vector<16xf32>,
        %get3A_289 = arith.index_cast %mul3A_253 : i32 to index
        %get3A_290 = tpu.vector_load %arg22[%get3A_289] {strides = array<i32>} : memref<32xf32, #tpu.memory_space<vmem>>, vector<16xf32>,
        %get3A_291 = vector.shape_cast %get3A_290 : vector<16xf32> to vector<16xf32>
        %select_n3A_292 = arith.select %eq3A_256, %gather3A_165, %get3A_291 : vector<16xi1>, vector<16xf32>
        %swap3A_293 = arith.index_cast %mul3A_253 : i32 to index
        %swap3A_294 = tpu.vector_load %arg22[%swap3A_293] {strides = array<i32>} : memref<32xf32, #tpu.memory_space<vmem>>, vector<16xf32>,
        %swap3A_295 = vector.shape_cast %swap3A_294 : vector<16xf32> to vector<16xf32>
        %swap3A_296 = vector.shape_cast %select_n3A_292 : vector<16xf32> to vector<16xf32>
        tpu.vector_store %arg22[%swap3A_293], %swap3A_296 {strides = array<i32>} : memref<32xf32, #tpu.memory_space<vmem>>, vector<16xf32>,
        %scan3A_297 = arith.constant 0 : i32
        scf.yield %scan3A_297 : i32
      }
      %scan3A_15 = arith.constant 20 : i32
      "tpu.region"() ({
        %run_scoped3A = tpu.sem_alloc : memref<!tpu.dma_semaphore, #tpu.memory_space<semaphore_mem>>
        %dma_start3A = arith.constant 0 : i32
        %dma_start3A_16 = tpu.memref_slice %arg7[%add3A, %dma_start3A] : memref<4x32xf32, #tpu.memory_space<hbm>> -> memref<1x32xf32, #tpu.memory_space<hbm>>
        %dma_start3A_17 = tpu.memref_squeeze %dma_start3A_16 : memref<1x32xf32, #tpu.memory_space<hbm>> -> memref<32xf32, #tpu.memory_space<hbm>>
        %dma_start3A_18 = arith.constant 0 : i32
        %dma_start3A_19 = tpu.memref_slice %arg7[%add3A, %dma_start3A_18] : memref<4x32xf32, #tpu.memory_space<hbm>> -> memref<1x32xf32, #tpu.memory_space<hbm>>
        %dma_start3A_20 = tpu.memref_squeeze %dma_start3A_19 : memref<1x32xf32, #tpu.memory_space<hbm>> -> memref<32xf32, #tpu.memory_space<hbm>>
        tpu.enqueue_dma source(%arg18 : memref<32xf32, #tpu.memory_space<vmem>>) target(%dma_start3A_20 : memref<32xf32, #tpu.memory_space<hbm>>) target_semaphore(%run_scoped3A : memref<!tpu.dma_semaphore, #tpu.memory_space<semaphore_mem>>)
        %dma_wait3A = arith.constant 0 : i32
        %dma_wait3A_21 = tpu.memref_slice %arg7[%add3A, %dma_wait3A] : memref<4x32xf32, #tpu.memory_space<hbm>> -> memref<1x32xf32, #tpu.memory_space<hbm>>
        %dma_wait3A_22 = tpu.memref_squeeze %dma_wait3A_21 : memref<1x32xf32, #tpu.memory_space<hbm>> -> memref<32xf32, #tpu.memory_space<hbm>>
        %dma_wait3A_23 = arith.constant 0 : i32
        %dma_wait3A_24 = tpu.memref_slice %arg7[%add3A, %dma_wait3A_23] : memref<4x32xf32, #tpu.memory_space<hbm>> -> memref<1x32xf32, #tpu.memory_space<hbm>>
        %dma_wait3A_25 = tpu.memref_squeeze %dma_wait3A_24 : memref<1x32xf32, #tpu.memory_space<hbm>> -> memref<32xf32, #tpu.memory_space<hbm>>
        tpu.wait_dma2 semaphore(%run_scoped3A : memref<!tpu.dma_semaphore, #tpu.memory_space<semaphore_mem>>) src(%arg18 : memref<32xf32, #tpu.memory_space<vmem>>) dst(%dma_wait3A_25 : memref<32xf32, #tpu.memory_space<hbm>>)
        tpu.yield
      }) : () -> ()
      "tpu.region"() ({
        %run_scoped3A = tpu.sem_alloc : memref<!tpu.dma_semaphore, #tpu.memory_space<semaphore_mem>>
        %dma_start3A = arith.constant 0 : i32
        %dma_start3A_16 = tpu.memref_slice %arg8[%add3A, %dma_start3A] : memref<4x32xf32, #tpu.memory_space<hbm>> -> memref<1x32xf32, #tpu.memory_space<hbm>>
        %dma_start3A_17 = tpu.memref_squeeze %dma_start3A_16 : memref<1x32xf32, #tpu.memory_space<hbm>> -> memref<32xf32, #tpu.memory_space<hbm>>
        %dma_start3A_18 = arith.constant 0 : i32
        %dma_start3A_19 = tpu.memref_slice %arg8[%add3A, %dma_start3A_18] : memref<4x32xf32, #tpu.memory_space<hbm>> -> memref<1x32xf32, #tpu.memory_space<hbm>>
        %dma_start3A_20 = tpu.memref_squeeze %dma_start3A_19 : memref<1x32xf32, #tpu.memory_space<hbm>> -> memref<32xf32, #tpu.memory_space<hbm>>
        tpu.enqueue_dma source(%arg19 : memref<32xf32, #tpu.memory_space<vmem>>) target(%dma_start3A_20 : memref<32xf32, #tpu.memory_space<hbm>>) target_semaphore(%run_scoped3A : memref<!tpu.dma_semaphore, #tpu.memory_space<semaphore_mem>>)
        %dma_wait3A = arith.constant 0 : i32
        %dma_wait3A_21 = tpu.memref_slice %arg8[%add3A, %dma_wait3A] : memref<4x32xf32, #tpu.memory_space<hbm>> -> memref<1x32xf32, #tpu.memory_space<hbm>>
        %dma_wait3A_22 = tpu.memref_squeeze %dma_wait3A_21 : memref<1x32xf32, #tpu.memory_space<hbm>> -> memref<32xf32, #tpu.memory_space<hbm>>
        %dma_wait3A_23 = arith.constant 0 : i32
        %dma_wait3A_24 = tpu.memref_slice %arg8[%add3A, %dma_wait3A_23] : memref<4x32xf32, #tpu.memory_space<hbm>> -> memref<1x32xf32, #tpu.memory_space<hbm>>
        %dma_wait3A_25 = tpu.memref_squeeze %dma_wait3A_24 : memref<1x32xf32, #tpu.memory_space<hbm>> -> memref<32xf32, #tpu.memory_space<hbm>>
        tpu.wait_dma2 semaphore(%run_scoped3A : memref<!tpu.dma_semaphore, #tpu.memory_space<semaphore_mem>>) src(%arg19 : memref<32xf32, #tpu.memory_space<vmem>>) dst(%dma_wait3A_25 : memref<32xf32, #tpu.memory_space<hbm>>)
        tpu.yield
      }) : () -> ()
      "tpu.region"() ({
        %run_scoped3A = tpu.sem_alloc : memref<!tpu.dma_semaphore, #tpu.memory_space<semaphore_mem>>
        %dma_start3A = arith.constant 0 : i32
        %dma_start3A_16 = tpu.memref_slice %arg9[%add3A, %dma_start3A] : memref<4x32xf32, #tpu.memory_space<hbm>> -> memref<1x32xf32, #tpu.memory_space<hbm>>
        %dma_start3A_17 = tpu.memref_squeeze %dma_start3A_16 : memref<1x32xf32, #tpu.memory_space<hbm>> -> memref<32xf32, #tpu.memory_space<hbm>>
        %dma_start3A_18 = arith.constant 0 : i32
        %dma_start3A_19 = tpu.memref_slice %arg9[%add3A, %dma_start3A_18] : memref<4x32xf32, #tpu.memory_space<hbm>> -> memref<1x32xf32, #tpu.memory_space<hbm>>
        %dma_start3A_20 = tpu.memref_squeeze %dma_start3A_19 : memref<1x32xf32, #tpu.memory_space<hbm>> -> memref<32xf32, #tpu.memory_space<hbm>>
        tpu.enqueue_dma source(%arg20 : memref<32xf32, #tpu.memory_space<vmem>>) target(%dma_start3A_20 : memref<32xf32, #tpu.memory_space<hbm>>) target_semaphore(%run_scoped3A : memref<!tpu.dma_semaphore, #tpu.memory_space<semaphore_mem>>)
        %dma_wait3A = arith.constant 0 : i32
        %dma_wait3A_21 = tpu.memref_slice %arg9[%add3A, %dma_wait3A] : memref<4x32xf32, #tpu.memory_space<hbm>> -> memref<1x32xf32, #tpu.memory_space<hbm>>
        %dma_wait3A_22 = tpu.memref_squeeze %dma_wait3A_21 : memref<1x32xf32, #tpu.memory_space<hbm>> -> memref<32xf32, #tpu.memory_space<hbm>>
        %dma_wait3A_23 = arith.constant 0 : i32
        %dma_wait3A_24 = tpu.memref_slice %arg9[%add3A, %dma_wait3A_23] : memref<4x32xf32, #tpu.memory_space<hbm>> -> memref<1x32xf32, #tpu.memory_space<hbm>>
        %dma_wait3A_25 = tpu.memref_squeeze %dma_wait3A_24 : memref<1x32xf32, #tpu.memory_space<hbm>> -> memref<32xf32, #tpu.memory_space<hbm>>
        tpu.wait_dma2 semaphore(%run_scoped3A : memref<!tpu.dma_semaphore, #tpu.memory_space<semaphore_mem>>) src(%arg20 : memref<32xf32, #tpu.memory_space<vmem>>) dst(%dma_wait3A_25 : memref<32xf32, #tpu.memory_space<hbm>>)
        tpu.yield
      }) : () -> ()
      "tpu.region"() ({
        %run_scoped3A = tpu.sem_alloc : memref<!tpu.dma_semaphore, #tpu.memory_space<semaphore_mem>>
        %dma_start3A = arith.constant 0 : i32
        %dma_start3A_16 = tpu.memref_slice %arg10[%add3A, %dma_start3A] : memref<4x32xf32, #tpu.memory_space<hbm>> -> memref<1x32xf32, #tpu.memory_space<hbm>>
        %dma_start3A_17 = tpu.memref_squeeze %dma_start3A_16 : memref<1x32xf32, #tpu.memory_space<hbm>> -> memref<32xf32, #tpu.memory_space<hbm>>
        %dma_start3A_18 = arith.constant 0 : i32
        %dma_start3A_19 = tpu.memref_slice %arg10[%add3A, %dma_start3A_18] : memref<4x32xf32, #tpu.memory_space<hbm>> -> memref<1x32xf32, #tpu.memory_space<hbm>>
        %dma_start3A_20 = tpu.memref_squeeze %dma_start3A_19 : memref<1x32xf32, #tpu.memory_space<hbm>> -> memref<32xf32, #tpu.memory_space<hbm>>
        tpu.enqueue_dma source(%arg21 : memref<32xf32, #tpu.memory_space<vmem>>) target(%dma_start3A_20 : memref<32xf32, #tpu.memory_space<hbm>>) target_semaphore(%run_scoped3A : memref<!tpu.dma_semaphore, #tpu.memory_space<semaphore_mem>>)
        %dma_wait3A = arith.constant 0 : i32
        %dma_wait3A_21 = tpu.memref_slice %arg10[%add3A, %dma_wait3A] : memref<4x32xf32, #tpu.memory_space<hbm>> -> memref<1x32xf32, #tpu.memory_space<hbm>>
        %dma_wait3A_22 = tpu.memref_squeeze %dma_wait3A_21 : memref<1x32xf32, #tpu.memory_space<hbm>> -> memref<32xf32, #tpu.memory_space<hbm>>
        %dma_wait3A_23 = arith.constant 0 : i32
        %dma_wait3A_24 = tpu.memref_slice %arg10[%add3A, %dma_wait3A_23] : memref<4x32xf32, #tpu.memory_space<hbm>> -> memref<1x32xf32, #tpu.memory_space<hbm>>
        %dma_wait3A_25 = tpu.memref_squeeze %dma_wait3A_24 : memref<1x32xf32, #tpu.memory_space<hbm>> -> memref<32xf32, #tpu.memory_space<hbm>>
        tpu.wait_dma2 semaphore(%run_scoped3A : memref<!tpu.dma_semaphore, #tpu.memory_space<semaphore_mem>>) src(%arg21 : memref<32xf32, #tpu.memory_space<vmem>>) dst(%dma_wait3A_25 : memref<32xf32, #tpu.memory_space<hbm>>)
        tpu.yield
      }) : () -> ()
      "tpu.region"() ({
        %run_scoped3A = tpu.sem_alloc : memref<!tpu.dma_semaphore, #tpu.memory_space<semaphore_mem>>
        %dma_start3A = arith.constant 0 : i32
        %dma_start3A_16 = tpu.memref_slice %arg11[%add3A, %dma_start3A] : memref<4x32xf32, #tpu.memory_space<hbm>> -> memref<1x32xf32, #tpu.memory_space<hbm>>
        %dma_start3A_17 = tpu.memref_squeeze %dma_start3A_16 : memref<1x32xf32, #tpu.memory_space<hbm>> -> memref<32xf32, #tpu.memory_space<hbm>>
        %dma_start3A_18 = arith.constant 0 : i32
        %dma_start3A_19 = tpu.memref_slice %arg11[%add3A, %dma_start3A_18] : memref<4x32xf32, #tpu.memory_space<hbm>> -> memref<1x32xf32, #tpu.memory_space<hbm>>
        %dma_start3A_20 = tpu.memref_squeeze %dma_start3A_19 : memref<1x32xf32, #tpu.memory_space<hbm>> -> memref<32xf32, #tpu.memory_space<hbm>>
        tpu.enqueue_dma source(%arg22 : memref<32xf32, #tpu.memory_space<vmem>>) target(%dma_start3A_20 : memref<32xf32, #tpu.memory_space<hbm>>) target_semaphore(%run_scoped3A : memref<!tpu.dma_semaphore, #tpu.memory_space<semaphore_mem>>)
        %dma_wait3A = arith.constant 0 : i32
        %dma_wait3A_21 = tpu.memref_slice %arg11[%add3A, %dma_wait3A] : memref<4x32xf32, #tpu.memory_space<hbm>> -> memref<1x32xf32, #tpu.memory_space<hbm>>
        %dma_wait3A_22 = tpu.memref_squeeze %dma_wait3A_21 : memref<1x32xf32, #tpu.memory_space<hbm>> -> memref<32xf32, #tpu.memory_space<hbm>>
        %dma_wait3A_23 = arith.constant 0 : i32
        %dma_wait3A_24 = tpu.memref_slice %arg11[%add3A, %dma_wait3A_23] : memref<4x32xf32, #tpu.memory_space<hbm>> -> memref<1x32xf32, #tpu.memory_space<hbm>>
        %dma_wait3A_25 = tpu.memref_squeeze %dma_wait3A_24 : memref<1x32xf32, #tpu.memory_space<hbm>> -> memref<32xf32, #tpu.memory_space<hbm>>
        tpu.wait_dma2 semaphore(%run_scoped3A : memref<!tpu.dma_semaphore, #tpu.memory_space<semaphore_mem>>) src(%arg22 : memref<32xf32, #tpu.memory_space<vmem>>) dst(%dma_wait3A_25 : memref<32xf32, #tpu.memory_space<hbm>>)
        tpu.yield
      }) : () -> ()
    } else {
    }
    return
  }
}

</mosaic_0001>

<sc_bundles>
// kernel: kernel.3.cloned.1.call-start
scs
__scs_entry_jumppad:
0x0: {  	(pc) =	sbr.rel $0x88, $3  }
0x1: {  	(tag) =	ssettag $0x0;
	lr =	simm.s32 $0x1  }
0x2: {  	[smem:$0x3F9C] =	sst lr;
	_ =	strace $0xD0000000  }
0x3: {  	_ = 	snop  }
0x4: {  	_ = 	snop  }
0x5: {  	_ = 	snop  }
0x6: {  	_ = 	snop  }
0x7: {  	_ = 	snop  }
__scs_overlays_trampoline_lowered:
0x8: {  	[smem:$0x3FAB] =	sst s0  }
0x9: {  	[smem:$0x3FAC] =	sst s1  }
0xa: {  	[smem:$0x3FAD] =	sst s2  }
0xb: {  	[smem:$0x3FAE] =	sst s3  }
0xc: {  	[smem:$0x3FAF] =	sst s4  }
0xd: {  	[smem:$0x3FB0] =	sst s5  }
0xe: {  	[smem:$0x3FB1] =	sst s6  }
0xf: {  	[smem:$0x3FB2] =	sst s7  }
0x10: {  	[smem:$0x3FB3] =	sst s8  }
0x11: {  	[smem:$0x3FB4] =	sst s9;
	s0 =	simm.s32 @!p0 $0x0  }
0x12: {  	s1 =	sld [smem:$0x3F9A];
	s0 =	simm.s32 @p0 $0x1  }
0x13: {  	[smem:$0x3FB5] =	sst s0;
	s0 =	simm.s32 @!p1 $0x0  }
0x14: {  	s2 =	sld [smem:$0x3F99];
	s0 =	simm.s32 @p1 $0x1  }
0x15: {  	[smem:$0x3FB6] =	sst s0;
	s0 =	simm.s32 @!p2 $0x0  }
0x16: {  	s3 =	sld [smem:$0x3FDB];
	s0 =	simm.s32 @p2 $0x1  }
0x17: {  	s4 =	simm.s32 $0x1BF5;
	[smem:$0x3FB8] =	sst s0  }
0x18: {  	s0 =	sld [smem:$0x3F9B];
	_ =	swait.ge [sflag:s4], $0x0  }
0x19: {  	s7 =	sld [smem:$0x3F9C]  }
0x1a: {  	s8 =	sadd.s32 $0xFFFFE003, lr  }
0x1b: {  	s9 =	sadd.s32 $0xFFFFFEF7, lr;
	s5 =	simm.s32 $0xFFFFFFFF;
	p2 =	slt.u32 s8, $0xFFFFF086  }
0x1c: {  	p1 =	slt.u32 s9, $0xF7A;
	s5 =	simm.s32 @!p2 $0x0  }
0x1d: {  	s5 =	simm.s32 @p1 $0x1;
	p0 =	seq.s32 s7, s2  }
0x1e: {  	s7 =	smul.u32 @!p0 $0xF7A, s2;
	p2 =	seq.s32 @!p0 s5, $0x0  }
0x1f: {  	s9 =	smul.u32 $0xF7A, s1;
	s8 =	simm.s32 @!p0 $0x1BF5;
	p2 =	por !p2, p0  }
0x20: {  	[sflag:s8] =	ssyncset.s32 @!p0 $0xFFFFF086;
	s6 =	sadd.s32 @!p0 s3, s7;
	s7 =	simm.s32 @!p0 $0x108  }
0x21: {  	s3 =	sadd.s32 s3, s9;
	s6 =	sadd.s32 @!p0 $0x88, s6;
	s7 =	simm.s32 @p2 $0x1082  }
0x22: {  	[simem:s7], [sflag:s8] =	dma.local @!p0 [hbm:s6], $0xF7A  }
0x23: {  	s9 =	sor.u32 $0xD0000000, s2;
	s6 =	simm.s32 $0x108;
	_ =	swait.ge @!p0 [sflag:s8], $0x0  }
0x24: {  	s3 =	sadd.s32 $0x88, s3;
	s6 =	simm.s32 @!p1 $0x1082;
	[sflag:s4] =	ssyncset.s32 $0xFFFFF086  }
0x25: {  	[simem:s6], [sflag:s4] =	dma.local [hbm:s3], $0xF7A  }
0x26: {  	[smem:$0x3F9C] =	sst s1;
	(tag) =	ssettag s2;
	_ =	strace s9  }
0x27: {  	s1 =	sld [smem:$0x3FAC]  }
0x28: {  	s2 =	sld [smem:$0x3FAD]  }
0x29: {  	s4 =	sld [smem:$0x3FAF]  }
0x2a: {  	p0 =	seq.s32 s5, $0x0;
	s5 =	sld [smem:$0x3FB0]  }
0x2b: {  	s6 =	sld [smem:$0x3FB1]  }
0x2c: {  	s7 =	sld [smem:$0x3FB2]  }
0x2d: {  	s3 =	simm.s32 $0x108;
	s8 =	sld [smem:$0x3FB3]  }
0x2e: {  	s3 =	simm.s32 @!p0 $0x1082;
	s9 =	sld [smem:$0x3FB4]  }
0x2f: {  	lr =	sadd.s32 s0, s3;
	s0 =	sld [smem:$0x3FAB]  }
0x30: {  	s3 =	sld [smem:$0x3FAE]  }
0x31: {  	[smem:$0x3FB7] =	sst s10  }
0x32: {  	s10 =	sld [smem:$0x3FB5];
	_ =	sdelay $0x3  }
0x33: {  	p0 =	seq.s32 s10, $0x1;
	s10 =	sld [smem:$0x3FB7];
	_ =	sdelay $0x3  }
0x34: {  	[smem:$0x3FB7] =	sst s10  }
0x35: {  	s10 =	sld [smem:$0x3FB6];
	_ =	sdelay $0x3  }
0x36: {  	p1 =	seq.s32 s10, $0x1;
	s10 =	sld [smem:$0x3FB7];
	_ =	sdelay $0x3  }
0x37: {  	[smem:$0x3FB7] =	sst s10  }
0x38: {  	s10 =	sld [smem:$0x3FB8]  }
0x39: {  	_ = 	snop;
	(pc) =	sbr.ind lr, $3  }
0x3a: {  	_ = 	snop  }
0x3b: {  	_ = 	snop  }
0x3c: {  	p2 =	seq.s32 s10, $0x1;
	s10 =	sld [smem:$0x3FB7]  }
0x3d: {  	_ =	shalt  }
0x3e: {  	_ =	shalt  }
0x3f: {  	_ =	shalt  }
0x40: {  	_ =	shalt  }
0x41: {  	_ =	shalt  }
0x42: {  	_ =	shalt  }
0x43: {  	_ =	shalt  }
0x44: {  	_ =	shalt  }
0x45: {  	_ =	shalt  }
0x46: {  	_ =	shalt  }
0x47: {  	_ =	shalt  }
0x48: {  	_ =	shalt  }
0x49: {  	_ =	shalt  }
0x4a: {  	_ =	shalt  }
0x4b: {  	_ =	shalt  }
0x4c: {  	_ =	shalt  }
0x4d: {  	_ =	shalt  }
0x4e: {  	_ =	shalt  }
0x4f: {  	_ =	shalt  }
0x50: {  	_ =	shalt  }
0x51: {  	_ =	shalt  }
0x52: {  	_ =	shalt  }
0x53: {  	_ =	shalt  }
0x54: {  	_ =	shalt  }
0x55: {  	_ =	shalt  }
0x56: {  	_ =	shalt  }
0x57: {  	_ =	shalt  }
0x58: {  	_ =	shalt  }
0x59: {  	_ =	shalt  }
0x5a: {  	_ =	shalt  }
0x5b: {  	_ =	shalt  }
0x5c: {  	_ =	shalt  }
0x5d: {  	_ =	shalt  }
0x5e: {  	_ =	shalt  }
0x5f: {  	_ =	shalt  }
0x60: {  	_ =	shalt  }
0x61: {  	_ =	shalt  }
0x62: {  	_ =	shalt  }
0x63: {  	_ =	shalt  }
0x64: {  	_ =	shalt  }
0x65: {  	_ =	shalt  }
0x66: {  	_ =	shalt  }
0x67: {  	_ =	shalt  }
0x68: {  	_ =	shalt  }
0x69: {  	_ =	shalt  }
0x6a: {  	_ =	shalt  }
0x6b: {  	_ =	shalt  }
0x6c: {  	_ =	shalt  }
0x6d: {  	_ =	shalt  }
0x6e: {  	_ =	shalt  }
0x6f: {  	_ =	shalt  }
0x70: {  	_ =	shalt  }
0x71: {  	_ =	shalt  }
0x72: {  	_ =	shalt  }
0x73: {  	_ =	shalt  }
0x74: {  	_ =	shalt  }
0x75: {  	_ =	shalt  }
0x76: {  	_ =	shalt  }
0x77: {  	_ =	shalt  }
0x78: {  	_ =	shalt  }
0x79: {  	_ =	shalt  }
0x7a: {  	_ =	shalt  }
0x7b: {  	_ =	shalt  }
0x7c: {  	_ =	shalt  }
0x7d: {  	_ =	shalt  }
0x7e: {  	_ =	shalt  }
0x7f: {  	_ =	shalt  }
0x80: {  	_ =	shalt  }
0x81: {  	_ =	shalt  }
0x82: {  	_ =	shalt  }
0x83: {  	_ =	shalt  }
0x84: {  	_ =	shalt  }
0x85: {  	_ =	shalt  }
0x86: {  	_ =	shalt  }
0x87: {  	_ =	shalt  }
.Lfunc_end0:
.L_simem_size_0:
called_computation_lowered:
.L_overlay_start_0:
0x88: {  	s2 =	sld [smem:$0x3FD9]  }
0x89: {  	s3 =	sld [smem:$0x3FFE];
	_ =	sdelay $0x1  }
0x8a: {  	s1 =	srdreg.scid  }
0x8b: {  	s0 =	sand.u32 $0x1, s1  }
0x8c: {  	s14 =	sshll.u32 s0, $0xA;
	s2 =	sadd.s32 s3, s2  }
0x8d: {  	s2 =	sadd.s32 s2, s14  }
0x8e: {  	[smem:$0x3FC3] =	sst s2  }
0x8f: {  	_ = 	snop  }
0x90: {  	s2 =	sld [smem:$0x3FD0];
	_ =	sdelay $0x2  }
0x91: {  	s15 =	simm.s32 $0xA;
	s4 =	simm.s32 $0x10  }
0x92: {  	[smem:s4], [sflag:s15] =	dma.local [hbm:s2], $0x1  }
0x93: {  	_ =	swait.eq [sflag:s15], $0x1  }
0x94: {  	s16 =	sld [smem:$0x10]  }
0x95: {  	s17 =	sld [smem:$0x11]  }
0x96: {  	s5 =	sld [smem:$0x12];
	[sflag:s15] =	ssyncset.done $0x0  }
0x97: {  	s6 =	sld [smem:$0x13];
	[sflag:s15] =	ssyncadd.s32 $0xFFFFFFFF  }
0x98: {  	s18 =	sld [smem:$0x14];
	(tm) =	ssettm $0x1  }
0x99: {  	s7 =	sld [smem:$0x3FFB];
	_ =	sdelay $0x3  }
0x9a: {  	_ =	strace s7  }
0x9b: {  	s7 =	sld [smem:$0x3FFC];
	_ =	sdelay $0x3  }
0x9c: {  	_ =	strace s7  }
0x9d: {  	s7 =	sld [smem:$0x3FFD];
	_ =	sdelay $0x3  }
0x9e: {  	_ =	strace s7  }
0x9f: {  	_ =	strace $0x8FFFFFFF  }
0xa0: {  	s19 =	sld [smem:$0x3FDB];
	_ =	sdelay $0x1  }
0xa1: {  	s8 =	simm.s32 $_scs_section_size  }
0xa2: {  	s9 =	simm.s32 $_size__tile_overlayer_lowered;
	s10 =	simm.s32 $_tile_overlayer_lowered  }
0xa3: {  	s22 =	simm.s32 $0x1BFF;
	s21 =	sshll.u32 s10, $0x1;
	s7 =	sadd.s32 s8, s19  }
0xa4: {  	s11 =	simm.s32 $0x0;
	s20 =	sshll.u32 s9, $0x1;
	s9 =	sadd.s32 s21, s7  }
0xa5: {  	[timem:s11], [sflag:s22] =	dma.local [hbm:s9], s20  }
0xa6: {  	_ =	swait.ge [sflag:s22], s20  }
0xa7: {  	s8 =	ssub.s32 $0x0, s20;
	[sflag:s22] =	ssyncset.done $0x0  }
0xa8: {  	[sflag:s22] =	ssyncadd.s32 s8;
	_ =	sdelay $0x1  }
0xa9: {  	s23 =	simm.s32 $0x1B8B  }
0xaa: {  	_ =	swait.ge [sflag:s23], $0x1  }
0xab: {  	[sflag:s23] =	ssyncset.done $0x0  }
0xac: {  	s25 =	simm.s32 $0x1B8E;
	s24 =	sld [smem:$0x3FFE];
	[sflag:s23] =	ssyncadd.s32 $0xFFFFFFFF  }
0xad: {  	s26 =	simm.s32 $execute0_lowered;
	[smem:$0x3FD2] =	sst s25  }
0xae: {  	s9 =	sshll.u32 s26, $0x1;
	_ =	strace $0x80000046;
	[dreg:$0x1] =	wrdreg $0xFFFFFFFF  }
0xaf: {  	s28 =	simm.s32 $_size_execute0_lowered;
	s7 =	sadd.s32 s7, s9;
	[dreg:$0x0] =	wrdreg $0x0  }
0xb0: {  	s9 =	sshll.u32 s28, $0x1;
	[dreg:$0x2] =	wrdreg s7  }
0xb1: {  	[dreg:$0x3] =	wrdreg s9  }
0xb2: {  	[dreg:$0x4] =	wrdreg $0xC0  }
0xb3: {  	_ =	task [dreg:s11], $0x5FFFF  }
0xb4: {  	[dreg:$0x1] =	wrdreg $0xFFFFFFFF  }
0xb5: {  	[dreg:$0x0] =	wrdreg $0x60  }
0xb6: {  	[dreg:$0x2] =	wrdreg s24  }
0xb7: {  	[dreg:$0x3] =	wrdreg s16  }
0xb8: {  	[dreg:$0x4] =	wrdreg s17  }
0xb9: {  	[dreg:$0x5] =	wrdreg s5  }
0xba: {  	[dreg:$0x6] =	wrdreg s6  }
0xbb: {  	[dreg:$0x7] =	wrdreg s18  }
0xbc: {  	[dreg:$0x8] =	wrdreg $0x9  }
0xbd: {  	_ =	task.clear_ibuf [dreg:s11], $0x9FFFF;
	_ =	strace $0x90000046  }
0xbe: {  	s29 =	simm.s32 $0x9;
	_ =	strace $0x80000048  }
0xbf: {  	_ =	swait.ge [sflag:s29], $0x1  }
0xc0: {  	[sflag:s29] =	ssyncadd.s32 $0xFFFFFFFF  }
0xc1: {  	_ =	strace $0x90000048  }
0xc2: {  	_ =	sfence  }
0xc3: {  	s30 =	sld [smem:$0x0];
	_ =	sdelay $0x2  }
0xc4: {  	s31 =	sshll.u32 s1, $0xD;
	s1 =	sshrl.u32 s1, $0x2  }
0xc5: {  	s3 =	sand.u32 $0x4000, s31;
	s1 =	sadd.s32 s1, s30  }
0xc6: {  	s0 =	sor.u32 s3, s0;
	s1 =	sshll.u32 s1, $0x11  }
0xc7: {  	s0 =	sor.u32 s1, s0  }
0xc8: {  	s0 =	sadd.s32 $0x8F2B, s0  }
0xc9: {  	[sflag:s0] =	ssyncadd.remote.s32 $0x1  }
0xca: {  	_ =	sfence.sel $0xFFFF  }
0xcb: {  	[dreg:$0x0] =	wrdreg $0xFFFFFFFF;
	(pc) =	sbr.abs _section_cstart, $3  }
0xcc: {  	[dreg:$0x1] =	wrdreg $0xFFFFFFFF  }
0xcd: {  	_ =	task.clear_ibuf [dreg:s11], $0x2FFFF;
	_ =	strace $0x9FFFFFFF  }
0xce: {  	(tm) =	ssettm $0x7FFFFFFF  }
0xcf: {  	_ =	shalt  }
tec
execute0_lowered:
.L_overlay_start_1:
0x0: {  	(tag) =	ssettag $0x1  }
0x1: {  	s3 =	rddreg [dreg:$0x0];
	s4 =	stileid.u32  }
0x2: {  	s7 =	rddreg [dreg:$0x1];
	p0 =	sgt.u32 s4, $0x1  }
.Ltmp0:
0x3: {  	s8 =	rddreg [dreg:$0x2];
	(pc) =	sbr.rel @p0 .LBB2_11-.Ltmp0, $4  }
0x4: {  	s9 =	rddreg [dreg:$0x3]  }
0x5: {  	s0 =	rddreg [dreg:$0x4];
	s2 =	simm.s32 $0x0  }
0x6: {  	[smem:$0x7FF] =	sst s2  }
0x7: {  	s1 =	rddreg [dreg:$0x5];
	_ =	strace $0x80000047  }
0x8: {  	v0 =	vimm.s32 $0xBA98FEDC;
	v1 =	vimm.s32 $0x32107654  }
0x9: {  	v2 =	vunpack.c.l.s4.s8 v0;
	v1 =	vunpack.c.l.s4.s8 v1  }
0xa: {  	v3 =	vimm.s32 $0x76543210  }
0xb: {  	s4 =	srdreg.scid;
	s30 =	stileid.u32;
	s12 =	sadd.s32 $0x1000, s3;
	v4 =	vimm.s32 $0xFEDCBA98;
	v2 =	vunpack.c.0.s8.s32 v2;
	v1 =	vunpack.c.0.s8.s32 v1  }
0xc: {  	v5 =	vimm.s32 $0xDCFE98BA;
	v7 =	vimm.s32 $0x67452301;
	s16 =	simm.s32 $0x1;
	s19 =	simm.s32 $0x5000;
	s20 =	simm.s32 $0x6400;
	v0 =	vlaneseq.u32  }
0xd: {  	s21 =	simm.s32 $0x7800;
	s22 =	simm.s32 $0x7880;
	s23 =	simm.s32 $0x7900;
	v4 =	vunpack.c.l.s4.s8 v4;
	v6 =	vcombine.low v1, v2;
	v2 =	vimm.s32 $0x54761032  }
0xe: {  	s24 =	simm.s32 $0x7980;
	s25 =	simm.s32 $0x7A00;
	s10 =	sand.u32 $0x1, s4;
	v1 =	vunpack.c.l.s4.s8 v5;
	v5 =	vimm.s32 $0xEFCDAB89;
	v2 =	vunpack.c.l.s4.s8 v2  }
0xf: {  	s4 =	sshll.u32 s30, $0x5;
	v7 =	vunpack.c.l.s4.s8 v7;
	v3 =	vunpack.c.l.s4.s8 v3;
	s5 =	sshll.u32 s10, $0x4;
	s14 =	ssub.s32 $0x2, s10;
	v5 =	vunpack.c.l.s4.s8 v5  }
0x10: {  	s26 =	simm.s32 $0x0;
	s13 =	sor.u32 s5, s4;
	s15 =	sshrl.u32 s14, $0x1;
	v4 =	vunpack.c.0.s8.s32 v4;
	v1 =	vunpack.c.0.s8.s32 v1;
	v2 =	vunpack.c.0.s8.s32 v2  }
0x11: {  	v7 =	vunpack.c.0.s8.s32 v7;
	v3 =	vunpack.c.0.s8.s32 v3;
	s6 =	sadd.s32 s13, s3;
	s7 =	sadd.s32 s7, s13;
	s8 =	sadd.s32 s8, s13;
	v5 =	vunpack.c.0.s8.s32 v5  }
0x12: {  	s9 =	sadd.s32 s9, s13;
	s10 =	sadd.s32 s0, s13;
	s11 =	sadd.s32 s1, s13;
	v4 =	vand.u32 $0xF, v4;
	v8 =	vcombine.low v2, v1;
	v2 =	vmul.u32 $0xFFFFFFFF, v0  }
0x13: {  	s31 =	ssub.s32 s14, s15;
	s12 =	sadd.s32 s12, s13;
	s14 =	simm.s32 $0x80;
	v3 =	vcombine.low v4, v3;
	v7 =	vcombine.low v7, v5  }
0x14: {  	s15 =	simm.s32 $0x200;
	s3 =	sadd.s32 $0x1A00, s6;
	s4 =	sadd.s32 $0x2400, s6;
	v4 =	vand.u32 $0xF, v6;
	v1 =	vimm.f32 $0.0e+00;
	v2 =	vadd.s32 $0x1387, v2  }
0x15: {  	s5 =	sadd.s32 $0x2E00, s6;
	s6 =	sadd.s32 $0x3800, s6;
	s13 =	smax.u32 s31, $0x1;
	v5 =	vand.u32 $0xF, v8;
	v6 =	vand.u32 $0xF, v7;
	v7 =	vimm.f32 $1.000000000e+00  }
.LBB2_2:
0x16: {  	s28 =	simm.s32 $0x0  }
0x17: {  	[tilespmem:s28], [sflag:$0x1] =	stream.strided.gather [hbm4b:s12+s14], $0x1400, s15, s14, $0x38;
	[tilespmem:$0x7A80] =	vst v63  }
0x18: {  	_ =	swait.ge [sflag:s16], $0x1400  }
0x19: {  	[sflag:s16] =	ssyncset.done $0x0  }
0x1a: {  	s0 =	simm.s32 $0x2800;
	[sflag:s16] =	ssyncadd.s32 $0xFFFFEC00  }
0x1b: {  	[tilespmem:s0], [sflag:$0x1] =	stream.strided.gather [hbm4b:s3+s14], $0x1400, s15, s14, $0x38;
	[tilespmem:$0x7A80] =	vst v63  }
0x1c: {  	_ =	swait.ge [sflag:s16], $0x1400  }
0x1d: {  	[sflag:s16] =	ssyncset.done $0x0  }
0x1e: {  	s31 =	simm.s32 $0x3C00;
	[sflag:s16] =	ssyncadd.s32 $0xFFFFEC00  }
0x1f: {  	[tilespmem:s31], [sflag:$0x1] =	stream.strided.gather [hbm4b:s4+s14], $0x1400, s15, s14, $0x38;
	[tilespmem:$0x7A80] =	vst v63  }
0x20: {  	_ =	swait.ge [sflag:s16], $0x1400  }
0x21: {  	[sflag:s16] =	ssyncset.done $0x0  }
0x22: {  	[sflag:s16] =	ssyncadd.s32 $0xFFFFEC00  }
0x23: {  	[tilespmem:s19], [sflag:$0x1] =	stream.strided.gather [hbm4b:s5+s14], $0x1400, s15, s14, $0x38;
	[tilespmem:$0x7A80] =	vst v63  }
0x24: {  	_ =	swait.ge [sflag:s16], $0x1400  }
0x25: {  	[sflag:s16] =	ssyncset.done $0x0  }
0x26: {  	[sflag:s16] =	ssyncadd.s32 $0xFFFFEC00  }
0x27: {  	[tilespmem:s20], [sflag:$0x1] =	stream.strided.gather [hbm4b:s6+s14], $0x1400, s15, s14, $0x38;
	[tilespmem:$0x7A80] =	vst v63  }
0x28: {  	_ =	swait.ge [sflag:s16], $0x1400  }
0x29: {  	[sflag:s16] =	ssyncset.done $0x0  }
0x2a: {  	[sflag:s16] =	ssyncadd.s32 $0xFFFFEC00  }
0x2b: {  	v8 =	vld [tilespmem:s28+$0x0];
	_ =	sdelay $0x4  }
0x2c: {  	v9 =	vmov s28;
	vm0 =	vgt.f32 v8, $1.000000010e-01  }
0x2d: {  	vm15 =	vgt.u32 v9, v2;
	v8 =	vnsel vm0, $0x0, v8  }
0x2e: {  	s0 =	simm.s32 $0x1400;
	[tilespmem:s28+$0x0] =	vst v8;
	v8 =	vsel vm15, $0x3F800000, v1  }
0x2f: {  	s1 =	simm.s32 $0x10;
	[tilespmem:s0+$0x0] =	vst v8  }
0x30: {  	v8 =	vld [tilespmem:s1+$0x0]  }
0x31: {  	s18 =	simm.s32 $0x20;
	s17 =	simm.s32 $0x10  }
.LBB2_3:
0x32: {  	p0 =	sne.s32 s18, $0x1380;
	_ =	sdelay $0x2  }
0x33: {  	v9 =	vmov s1;
	s1 =	smov.u32 s18;
	vm0 =	vgt.f32 v8, $1.000000010e-01  }
.Ltmp1:
0x34: {  	v8 =	vnsel vm0, $0x0, v8;
	vm0 =	vgt.u32 v9, v2;
	(pc) =	sbr.rel @p0 .LBB2_3-.Ltmp1, $4  }
0x35: {  	s0 =	sadd.s32 $0x10, s0;
	[tilespmem:s17+$0x0] =	vst v8;
	v8 =	vsel vm0, $0x3F800000, v1  }
0x36: {  	s17 =	sadd.s32 $0x10, s17;
	[tilespmem:s0+$0x0] =	vst v8  }
0x37: {  	v8 =	vld [tilespmem:s17+$0x0]  }
0x38: {  	s18 =	sadd.s32 $0x10, s18  }
0x39: {  	_ =	sdelay $0x2  }
0x3a: {  	v9 =	vmov s1;
	vm0 =	vgt.f32 v8, $1.000000010e-01  }
0x3b: {  	vm15 =	vgt.u32 v9, v2;
	v8 =	vnsel vm0, $0x0, v8  }
0x3c: {  	s0 =	sadd.s32 $0x10, s0;
	[tilespmem:s17+$0x0] =	vst v8;
	v8 =	vsel vm15, $0x3F800000, v1  }
0x3d: {  	[tilespmem:s0+$0x0] =	vst v8  }
.LBB2_5:
0x3e: {  	s0 =	simm.s32 $0x1400  }
0x3f: {  	v10 =	vld [tilespmem:s0+$0x0]  }
0x40: {  	s0 =	simm.s32 $0x0  }
0x41: {  	v12 =	vld [tilespmem:s0+$0x0];
	_ =	sdelay $0x1  }
0x42: {  	v8 =	vimm.f32 $0.0e+00;
	v9 =	vimm.s32 $0x40000000  }
0x43: {  	s1 =	simm.s32 $0x10;
	s17 =	simm.s32 $0x1410;
	v11 =	vor.u32 s0, v0;
	vm0 =	veq.f32 v10, $0.0e+00;
	v10 =	vimm.s32 $0x40000000  }
.LBB2_6:
0x44: {  	v13 =	vld [tilespmem:s17+$0x0];
	p0 =	sne.s32 s1, $0x1380;
	v14 =	vnsel vm0, $0x40000000, v11;
	s18 =	smov.u32 s1;
	s1 =	sadd.s32 $0x10, s1  }
.Ltmp2:
0x45: {  	s0 =	sadd.s32 $0x10, s0;
	vm0 =	vgt.f32 v12, v8;
	vm1 =	vlt.s32 v9, v14;
	(pc) =	sbr.rel @p0 .LBB2_6-.Ltmp2, $2  }
0x46: {  	v8 =	vsel vm0, v12, v8;
	v12 =	vld [tilespmem:s0+$0x0];
	v10 =	vsel vm0, v11, v10;
	v9 =	vsel vm1, v9, v14;
	_ =	sdelay $0x2  }
0x47: {  	s17 =	sadd.s32 $0x10, s17;
	v11 =	vor.u32 s18, v0;
	vm0 =	veq.f32 v13, $0.0e+00  }
0x48: {  	_ = 	snop  }
0x49: {  	vm1 =	vgt.f32 v12, v8  }
0x4a: {  	v12 =	vsel vm1, v12, v8  }
0x4b: {  	v8 =	vperm.xlane v12, v3;
	_ =	sdelay $0x1  }
0x4c: {  	v8 =	vmax.f32 v12, v8  }
0x4d: {  	v13 =	vperm.xlane v8, v4;
	_ =	sdelay $0x1  }
0x4e: {  	v8 =	vmax.f32 v8, v13  }
0x4f: {  	v13 =	vperm.xlane v8, v5;
	_ =	sdelay $0x1  }
0x50: {  	v8 =	vmax.f32 v8, v13  }
0x51: {  	v13 =	vperm.xlane v8, v6;
	_ =	sdelay $0x1  }
0x52: {  	v14 =	vnsel vm0, $0x40000000, v11;
	v8 =	vmax.f32 v8, v13  }
0x53: {  	vm0 =	vlt.s32 v9, v14;
	v10 =	vsel vm1, v11, v10;
	vm1 =	veq.f32 v12, v8  }
0x54: {  	v9 =	vsel vm0, v9, v14;
	v10 =	vnsel vm1, $0x40000000, v10  }
0x55: {  	v12 =	vperm.xlane v9, v3;
	v11 =	vperm.xlane v10, v3;
	_ =	sdelay $0x1  }
0x56: {  	vm1 =	vlt.s32 v9, v12;
	vm0 =	vlt.s32 v10, v11  }
0x57: {  	v9 =	vsel vm1, v9, v12;
	v10 =	vsel vm0, v10, v11  }
0x58: {  	v12 =	vperm.xlane v9, v4;
	v11 =	vperm.xlane v10, v4;
	_ =	sdelay $0x1  }
0x59: {  	vm1 =	vlt.s32 v9, v12;
	vm0 =	vlt.s32 v10, v11  }
0x5a: {  	v9 =	vsel vm1, v9, v12;
	v10 =	vsel vm0, v10, v11  }
0x5b: {  	v12 =	vperm.xlane v9, v5;
	v11 =	vperm.xlane v10, v5;
	_ =	sdelay $0x1  }
0x5c: {  	vm1 =	vlt.s32 v9, v12;
	vm0 =	vlt.s32 v10, v11  }
0x5d: {  	v9 =	vsel vm1, v9, v12;
	v10 =	vsel vm0, v10, v11  }
0x5e: {  	v12 =	vperm.xlane v9, v6;
	v11 =	vperm.xlane v10, v6;
	_ =	sdelay $0x1  }
0x5f: {  	vm1 =	vlt.s32 v9, v12;
	vm0 =	vlt.s32 v10, v11  }
0x60: {  	v9 =	vsel vm1, v9, v12;
	v10 =	vsel vm0, v10, v11;
	vm0 =	vgt.f32 v8, $0.0e+00  }
0x61: {  	v9 =	vsel vm0, v10, v9  }
0x62: {  	(v2sf) =	vpush v9, $0x0;
	_ =	sdelay $0xe  }
0x63: {  	s29 =	spop (v2sf)  }
0x64: {  	s0 =	sand.u32 $0xF, s29  }
0x65: {  	s1 =	sshra.s32 s29, $0x1F;
	p0 =	slt.s32 s29, $0x1;
	p1 =	sne.s32 s0, $0x0  }
0x66: {  	s18 =	sshrl.u32 s1, $0x1C;
	p0 =	por !p0, !p1  }
0x67: {  	s1 =	simm.s32 $0x1;
	s0 =	sadd.s32 s18, s29;
	p0 =	por !p0, !p0  }
0x68: {  	s0 =	sshrl.u32 s0, $0x4;
	s1 =	simm.s32 @!p0 $0x0  }
0x69: {  	s0 =	ssub.s32 s0, s1;
	s1 =	simm.s32 $0x0  }
0x6a: {  	v16 =	vld [tilespmem:s1+$0x5000]  }
0x6b: {  	s30 =	sshll.u32 s0, $0x4;
	v18 =	vld [tilespmem:s1+$0x6400]  }
0x6c: {  	v11 =	vld [tilespmem:s30+$0x2800]  }
0x6d: {  	v10 =	vld [tilespmem:s30+$0x5000]  }
0x6e: {  	v12 =	vld [tilespmem:s30+$0x6400]  }
0x6f: {  	v13 =	vld [tilespmem:s30+$0x3C00];
	_ =	sdelay $0x1  }
0x70: {  	v14 =	vand.u32 $0xF, v9;
	v21 =	vmul.f32 v18, v16  }
0x71: {  	v23 =	vmul.f32 $5.000000000e-01, v16;
	v10 =	vperm.xlane v10, v14  }
0x72: {  	v20 =	vld [tilespmem:s1+$0x2800];
	v9 =	vperm.xlane v12, v14;
	v12 =	vperm.xlane v11, v14  }
0x73: {  	v22 =	vld [tilespmem:s1+$0x3C00];
	v11 =	vperm.xlane v13, v14;
	v14 =	vmul.f32 $5.000000000e-01, v10  }
0x74: {  	v19 =	vmul.f32 $5.000000000e-01, v9;
	v17 =	vmul.f32 v9, v10  }
0x75: {  	s0 =	simm.s32 $0x10;
	v18 =	vmul.f32 $5.000000000e-01, v18;
	v13 =	vsub.f32 v12, v14;
	v15 =	vadd.f32 v14, v12  }
0x76: {  	v24 =	vld [tilespmem:s0+$0x5000];
	v14 =	vsub.f32 v11, v19;
	v21 =	vmin.f32 v21, v17;
	v16 =	vadd.f32 v19, v11  }
0x77: {  	v19 =	vld [tilespmem:s0+$0x6400];
	(erf) = vrcp.f32 v21;
	v21 =	vsub.f32 v20, v23;
	v20 =	vadd.f32 v23, v20  }
0x78: {  	v23 =	vsub.f32 v22, v18;
	v18 =	vadd.f32 v18, v22  }
0x79: {  	v20 =	vmin.f32 v20, v15  }
0x7a: {  	v27 =	vld [tilespmem:s0+$0x3C00];
	v21 =	vmax.f32 v21, v13;
	v18 =	vmin.f32 v18, v16;
	v23 =	vmax.f32 v23, v14  }
0x7b: {  	s31 =	simm.s32 $0x20;
	v22 =	vld [tilespmem:s0+$0x2800];
	v20 =	vsub.f32 v20, v21;
	v18 =	vsub.f32 v18, v23  }
0x7c: {  	v25 =	vld [tilespmem:s31+$0x5000];
	v26 =	vmul.f32 v19, v24  }
0x7d: {  	v23 =	vld [tilespmem:s31+$0x6400];
	v19 =	vmul.f32 $5.000000000e-01, v19;
	v20 =	vmax.f32 v20, $0.0e+00;
	v18 =	vmax.f32 v18, $0.0e+00  }
0x7e: {  	v21 =	vmul.f32 $5.000000000e-01, v24;
	v24 =	vmin.f32 v26, v17;
	v20 =	vmul.f32 v18, v20  }
0x7f: {  	v26 =	vsub.f32 v27, v19;
	v19 =	vadd.f32 v19, v27;
	(erf) = vrcp.f32 v24  }
0x80: {  	v24 =	vsub.f32 v22, v21;
	v21 =	vadd.f32 v21, v22;
	v22 =	vpop (erf)  }
0x81: {  	v28 =	vld [tilespmem:s1+$0x0];
	v18 =	vmul.f32 $5.000000000e-01, v25;
	v20 =	vmul.f32 v20, v22  }
0x82: {  	s17 =	simm.s32 $0x30;
	v25 =	vmul.f32 v23, v25;
	v19 =	vmin.f32 v19, v16;
	v22 =	vmin.f32 v21, v15;
	v21 =	vld [tilespmem:s31+$0x2800]  }
0x83: {  	v26 =	vmax.f32 v26, v14;
	v24 =	vmax.f32 v24, v13;
	vm1 =	vgt.f32 v20, $3.000000120e-01;
	v20 =	vld [tilespmem:s17+$0x5000]  }
0x84: {  	v27 =	vsub.f32 v19, v26;
	v24 =	vsub.f32 v22, v24;
	v22 =	vld [tilespmem:s31+$0x3C00];
	vm1 =	vmand vm0, vm1  }
0x85: {  	v23 =	vmul.f32 $5.000000000e-01, v23;
	v19 =	vld [tilespmem:s17+$0x6400];
	v25 =	vmin.f32 v25, v17;
	v29 =	vsel vm1, $0x0, v7  }
0x86: {  	s18 =	simm.s32 $0x100;
	v27 =	vmax.f32 v27, $0.0e+00;
	v26 =	vmax.f32 v24, $0.0e+00;
	v24 =	vmul.f32 v29, v28  }
.LBB2_8:
0x87: {  	p0 =	sne.s32 s18, $0x4E00;
	(erf) = vrcp.f32 v25;
	v25 =	vmul.f32 v27, v26  }
0x88: {  	v26 =	vsub.f32 v21, v18;
	v27 =	vadd.f32 v18, v21;
	v18 =	vmul.f32 $5.000000000e-01, v20;
	v21 =	vpop (erf);
	[tilespmem:s1+$0x0] =	vst v24;
	s1 =	smov.u32 s0;
	s0 =	smov.u32 s31;
	s31 =	smov.u32 s17  }
0x89: {  	v24 =	vsub.f32 v22, v23;
	v22 =	vadd.f32 v23, v22;
	v28 =	vld [tilespmem:s1+$0x0];
	v23 =	vmul.f32 v25, v21  }
.Ltmp3:
0x8a: {  	s17 =	sshra.s32 s18, $0x2;
	v27 =	vmin.f32 v27, v15;
	v26 =	vmax.f32 v26, v13;
	v21 =	vld [tilespmem:s31+$0x2800];
	v25 =	vmul.f32 v19, v20;
	(pc) =	sbr.rel @p0 .LBB2_8-.Ltmp3, $4  }
0x8b: {  	v20 =	vld [tilespmem:s17+$0x5000];
	v29 =	vmin.f32 v22, v16;
	v24 =	vmax.f32 v24, v14;
	vm1 =	vgt.f32 v23, $3.000000120e-01  }
0x8c: {  	v26 =	vsub.f32 v27, v26;
	v22 =	vld [tilespmem:s31+$0x3C00];
	v24 =	vsub.f32 v29, v24;
	vm1 =	vmand vm0, vm1  }
0x8d: {  	v23 =	vmul.f32 $5.000000000e-01, v19;
	v25 =	vmin.f32 v25, v17;
	v19 =	vld [tilespmem:s17+$0x6400];
	v29 =	vsel vm1, $0x0, v7  }
0x8e: {  	s18 =	sadd.s32 $0x40, s18;
	v26 =	vmax.f32 v26, $0.0e+00;
	v27 =	vmax.f32 v24, $0.0e+00;
	v24 =	vmul.f32 v29, v28  }
0x8f: {  	(erf) = vrcp.f32 v25;
	v31 =	vmul.f32 v27, v26  }
0x90: {  	v33 =	vsub.f32 v21, v18;
	v34 =	vadd.f32 v18, v21;
	v32 =	vmul.f32 $5.000000000e-01, v20;
	v35 =	vpop (erf);
	[tilespmem:s1+$0x0] =	vst v24  }
0x91: {  	v36 =	vsub.f32 v22, v23;
	v37 =	vadd.f32 v23, v22;
	v38 =	vld [tilespmem:s0+$0x0];
	v21 =	vmul.f32 v31, v35  }
0x92: {  	v18 =	vmin.f32 v34, v15;
	v40 =	vmax.f32 v33, v13;
	v39 =	vmul.f32 v19, v20  }
0x93: {  	v41 =	vld [tilespmem:s17+$0x2800];
	v22 =	vmin.f32 v37, v16;
	v24 =	vmax.f32 v36, v14;
	vm1 =	vgt.f32 v21, $3.000000120e-01  }
0x94: {  	v42 =	vld [tilespmem:s17+$0x3C00];
	v18 =	vsub.f32 v18, v40;
	v22 =	vsub.f32 v22, v24;
	vm1 =	vmand vm0, vm1  }
0x95: {  	v43 =	vmul.f32 $5.000000000e-01, v19;
	v17 =	vmin.f32 v39, v17;
	v44 =	vsel vm1, $0x0, v7  }
0x96: {  	v18 =	vmax.f32 v18, $0.0e+00;
	v22 =	vmax.f32 v22, $0.0e+00;
	v20 =	vmul.f32 v44, v38  }
0x97: {  	(erf) = vrcp.f32 v17;
	v45 =	vmul.f32 v22, v18  }
0x98: {  	v46 =	vsub.f32 v41, v32;
	v47 =	vadd.f32 v32, v41;
	v48 =	vpop (erf);
	[tilespmem:s0+$0x0] =	vst v20  }
0x99: {  	v49 =	vsub.f32 v42, v43;
	v19 =	vadd.f32 v43, v42;
	v50 =	vld [tilespmem:s31+$0x0];
	v17 =	vmul.f32 v45, v48  }
0x9a: {  	v51 =	vmin.f32 v47, v15;
	v52 =	vmax.f32 v46, v13  }
0x9b: {  	v53 =	vmin.f32 v19, v16;
	v54 =	vmax.f32 v49, v14;
	vm12 =	vgt.f32 v17, $3.000000120e-01  }
0x9c: {  	v13 =	vsub.f32 v51, v52;
	v14 =	vsub.f32 v53, v54;
	vm1 =	vmand vm0, vm12  }
0x9d: {  	v55 =	vsel vm1, $0x0, v7  }
0x9e: {  	v13 =	vmax.f32 v13, $0.0e+00;
	v14 =	vmax.f32 v14, $0.0e+00;
	v15 =	vmul.f32 v55, v50  }
0x9f: {  	v13 =	vmul.f32 v14, v13  }
0xa0: {  	v56 =	vpop (erf);
	[tilespmem:s31+$0x0] =	vst v15  }
0xa1: {  	v13 =	vmul.f32 v13, v56;
	v15 =	vld [tilespmem:s17+$0x0];
	_ =	sdelay $0x1  }
0xa2: {  	vm13 =	vgt.f32 v13, $3.000000120e-01  }
0xa3: {  	vm1 =	vmand vm0, vm13  }
0xa4: {  	v57 =	vsel vm1, $0x0, v7  }
0xa5: {  	v13 =	vmul.f32 v57, v15;
	_ =	sdelay $0x1  }
0xa6: {  	[tilespmem:s17+$0x0] =	vst v13  }
0xa7: {  	v13 =	vld [tilespmem:s30+$0x1400];
	_ =	sdelay $0x1  }
0xa8: {  	s29 =	ssub.s32 s29, s30  }
0xa9: {  	v58 =	vmov s29  }
0xaa: {  	vm14 =	veq.s32 v58, v0  }
0xab: {  	v13 =	vsel vm14, $0x3F800000, v13  }
0xac: {  	[tilespmem:s30+$0x1400] =	vst v13;
	s30 =	sand.u32 $0x10, s28  }
0xad: {  	v13 =	vld [tilespmem:s30+$0x7800]  }
0xae: {  	v59 =	vld [tilespmem:s30+$0x7880]  }
0xaf: {  	s31 =	sand.u32 $0xF, s28;
	v60 =	vld [tilespmem:s30+$0x7900]  }
0xb0: {  	v61 =	vmov s31;
	v62 =	vld [tilespmem:s30+$0x7980]  }
0xb1: {  	v8 =	vnsel vm0, $0x0, v8;
	vm15 =	veq.s32 v61, v0;
	s28 =	sadd.s32 $0x1, s28;
	v63 =	vld [tilespmem:s30+$0x7A00]  }
0xb2: {  	p0 =	sne.s32 s28, $0x14;
	v8 =	vsel vm15, v8, v13  }
.Ltmp4:
0xb3: {  	[tilespmem:s30+$0x7800] =	vst v8;
	v8 =	vsel vm15, v12, v59;
	(pc) =	sbr.rel @p0 .LBB2_5-.Ltmp4, $4  }
0xb4: {  	[tilespmem:s30+$0x7880] =	vst v8;
	v8 =	vsel vm15, v11, v60  }
0xb5: {  	[tilespmem:s30+$0x7900] =	vst v8;
	v8 =	vsel vm15, v10, v62  }
0xb6: {  	[tilespmem:s30+$0x7980] =	vst v8;
	v8 =	vsel vm15, v9, v63  }
0xb7: {  	[tilespmem:s30+$0x7A00] =	vst v8  }
0xb8: {  	[hbm4b:s7+s2] =	stream.linear.scatter [tilespmem:s21], [sflag:$0x1], $0x80, $0x38;
	[tilespmem:$0x7A80] =	vst v63  }
0xb9: {  	_ =	swait.ge [sflag:s16], $0x80  }
0xba: {  	[sflag:s16] =	ssyncset.done $0x0  }
0xbb: {  	[sflag:s16] =	ssyncadd.s32 $0xFFFFFF80  }
0xbc: {  	[hbm4b:s8+s2] =	stream.linear.scatter [tilespmem:s22], [sflag:$0x1], $0x80, $0x38;
	[tilespmem:$0x7A80] =	vst v63  }
0xbd: {  	_ =	swait.ge [sflag:s16], $0x80  }
0xbe: {  	[sflag:s16] =	ssyncset.done $0x0  }
0xbf: {  	[sflag:s16] =	ssyncadd.s32 $0xFFFFFF80  }
0xc0: {  	[hbm4b:s9+s2] =	stream.linear.scatter [tilespmem:s23], [sflag:$0x1], $0x80, $0x38;
	[tilespmem:$0x7A80] =	vst v63  }
0xc1: {  	_ =	swait.ge [sflag:s16], $0x80  }
0xc2: {  	[sflag:s16] =	ssyncset.done $0x0  }
0xc3: {  	[sflag:s16] =	ssyncadd.s32 $0xFFFFFF80  }
0xc4: {  	[hbm4b:s10+s2] =	stream.linear.scatter [tilespmem:s24], [sflag:$0x1], $0x80, $0x38;
	[tilespmem:$0x7A80] =	vst v63  }
0xc5: {  	s26 =	sadd.s32 $0x1, s26;
	_ =	swait.ge [sflag:s16], $0x80  }
0xc6: {  	p0 =	sne.s32 s26, s13;
	[sflag:s16] =	ssyncset.done $0x0  }
.Ltmp5:
0xc7: {  	[sflag:s16] =	ssyncadd.s32 $0xFFFFFF80;
	(pc) =	sbr.rel @p0 .LBB2_2-.Ltmp5, $4  }
0xc8: {  	[hbm4b:s11+s2] =	stream.linear.scatter [tilespmem:s25], [sflag:$0x1], $0x80, $0x38;
	[tilespmem:$0x7A80] =	vst v63  }
0xc9: {  	_ =	swait.ge [sflag:s16], $0x80  }
0xca: {  	[sflag:s16] =	ssyncset.done $0x0  }
0xcb: {  	[sflag:s16] =	ssyncadd.s32 $0xFFFFFF80  }
.LBB2_11:
0xcc: {  	_ =	sfence.sel $0x180000  }
0xcd: {  	[bflag:$0x0] =	sbarrier.arrive $0xFFFF  }
0xce: {  	_ =	strace $0x90000047  }
0xcf: {  	s0 =	stileid.u32;
	[bflag:$0x2] =	sbarrier.arrive $0xFFFF  }
0xd0: {  	p0 =	sne.s32 s0, $0x0;
	s0 =	rddreg [dreg:$0x6]  }
0xd1: {  	s0 =	sadd.s32 @!p0 $0x100000, s0  }
0xd2: {  	[sflag:s0] =	ssyncadd.tile.s32 @!p0 $0x1;
	_ =	shalt  }
.Lfunc_end2:
_tile_overlayer_lowered:
.L_overlay_start_2:
0xd3: {  	(tag) =	ssettag $0x2  }
0xd4: {  	s0 =	rddreg [dreg:$0x0];
	s2 =	stileid.u32  }
0xd5: {  	s1 =	rddreg [dreg:$0x1];
	p0 =	sne.s32 s2, $0x0  }
0xd6: {  	s3 =	rddreg [dreg:$0x2];
	[bflag:$0x3] =	sbarrier.arrive $0xFFFF;
	s2 =	simm.s32 @!p0 $0x1C01  }
0xd7: {  	[timem:s3], [sflag:s2] =	dma.local @!p0 [hbm:s0], s1  }
0xd8: {  	s0 =	simm.s32 @!p0 $0x1  }
0xd9: {  	_ =	swait.ge @!p0 [sflag:s0], s1  }
0xda: {  	s1 =	ssub.s32 @!p0 $0x0, s1;
	[sflag:s0] =	ssyncset.done @!p0 $0x0  }
0xdb: {  	[sflag:s0] =	ssyncadd.s32 @!p0 s1  }
0xdc: {  	[bflag:$0x3] =	sbarrier.arrive $0xFFFF  }
0xdd: {  	_ =	shalt  }

</sc_bundles>
